<compile_context>
chip_gen: v7x
topology: tpu7x:2x2x1
jax: 0.10.2.dev20260603
libtpu: 0.0.44.dev20260713+nightly
codegen_flags: <defaults>
</compile_context>

<pallas_src>
import functools

import jax
import jax.numpy as jnp
from jax import lax
from jax.experimental import pallas as pl
from jax.experimental.pallas import tpu as pltpu
from jax.experimental.pallas import tpu_sc as plsc

Q = 7
VOCAB = 1025
D = 1024
DP = D // 2
T = 16384
NC, NS = 2, 16
NW = NC * NS
TPW = T // NW
C = 8
NCH = TPW // C
NGRP = NCH // 2
LANES = 16
GPR = DP // LANES

def _make_embed_call():
    mesh = plsc.VectorSubcoreMesh(core_axis_name="c", subcore_axis_name="s")

    @functools.partial(
        pl.kernel,
        out_type=jax.ShapeDtypeStruct((T, D), jnp.float32),
        mesh=mesh,
        scratch_types=[
            pltpu.VMEM((Q, TPW), jnp.int32),
            pltpu.VMEM((3, Q, C, DP), jnp.int32),
            pltpu.VMEM((C, D), jnp.float32),
            pltpu.VMEM((C, D), jnp.float32),
            pltpu.SemaphoreType.DMA((3,)),
            pltpu.SemaphoreType.DMA,
            pltpu.SemaphoreType.DMA,
        ],
    )
    def embed(w_hbm, idx_hbm, out_hbm,
              idx_v, rings, stage0, stage1, gsems, osem0, osem1):
        stages = (stage0, stage1)
        osems = (osem0, osem1)

        wid = lax.axis_index("s") * NC + lax.axis_index("c")
        base = wid * TPW

        pltpu.sync_copy(idx_hbm.at[wid], idx_v)

        def gather_desc(k, cc):
            rp = lax.rem(cc, 3)
            idx_sl = idx_v.at[k, pl.ds(cc * C, C)]
            return pltpu.make_async_copy(
                w_hbm.at[idx_sl], rings.at[rp, k], gsems.at[rp])

        def out_desc(cc, p):
            return pltpu.make_async_copy(
                stages[p], out_hbm.at[pl.ds(base + cc * C, C)], osems[p])

        def accum(p, rp):
            hi_mask = jnp.int32(-65536)

            @plsc.parallel_loop(0, C * GPR, 1, unroll=4)
            def _(i):
                r = lax.shift_right_logical(i, 5)
                g = jnp.bitwise_and(i, GPR - 1)
                colp = pl.multiple_of(lax.shift_left(g, 4), LANES)
                slp = pl.ds(colp, LANES)
                lo = None
                hi = None
                for k in range(Q):
                    v = rings[rp, k, r, slp]
                    vlo = lax.bitcast_convert_type(lax.shift_left(v, 16), jnp.float32)
                    vhi = lax.bitcast_convert_type(jnp.bitwise_and(v, hi_mask), jnp.float32)
                    lo = vlo if lo is None else lo + vlo
                    hi = vhi if hi is None else hi + vhi
                stages[p][r, pl.ds(colp, LANES)] = lo
                stages[p][r, pl.ds(colp + DP, LANES)] = hi

        def issue_chunk(cc):
            for k in range(Q):
                gather_desc(k, cc).start()

        issue_chunk(0)
        issue_chunk(1)

        def group_body(g, _):
            c0 = g * 2
            for b in range(2):
                cc = c0 + b
                @pl.when(cc + 2 < NCH)
                def _():
                    issue_chunk(cc + 2)
                for k in range(Q):
                    gather_desc(k, cc).wait()
                @pl.when(g >= 1)
                def _():
                    out_desc(cc, b).wait()
                accum(b, lax.rem(cc, 3))
                out_desc(cc, b).start()
            return 0

        lax.fori_loop(0, NGRP, group_body, 0)

        out_desc(NCH - 2, 0).wait()
        out_desc(NCH - 1, 1).wait()

    return embed


_embed = _make_embed_call()


def kernel(xi, W):
    idx = xi[:, :Q].astype(jnp.int32) + (jnp.arange(Q, dtype=jnp.int32) * VOCAB)[None, :]
    idx_all = idx.T.reshape(Q, NW, TPW).transpose(1, 0, 2)
    lo16 = lax.bitcast_convert_type(W[..., :DP].astype(jnp.bfloat16), jnp.uint16)
    hi16 = lax.bitcast_convert_type(W[..., DP:].astype(jnp.bfloat16), jnp.uint16)
    w32 = lo16.astype(jnp.uint32) | (hi16.astype(jnp.uint32) << 16)
    w_packed = lax.bitcast_convert_type(w32, jnp.int32).reshape(W.shape[0] * VOCAB, DP)
    return _embed(w_packed, idx_all)

# --- scband reference (transcript-rebuilt; emitter-appended) ---
"""Pipeline reference for scband-audio-embedding-88716844466283 (READ-ONLY COPY).

The authoritative reference and input builder live on the scoring server;
editing this copy changes nothing except your own understanding.
"""

import jax, jax.numpy as jnp
import numpy as np

NUM_LEVELS = 8
VOCAB = 1025
TOKEN_DIM = 1024
T = 16384

def setup_inputs(seed: int = 0) -> dict:
    key = jax.random.key(seed)
    k1, k2 = jax.random.split(key)
    # xi: [T, Q] token ids, values in [0, 1024) so stop-token path is not triggered
    xi = jax.random.randint(k1, (T, NUM_LEVELS), 0, 1024, dtype=jnp.int32)
    # stacked embedding tables: [Q, VOCAB, TOKEN_DIM]
    W = jax.random.normal(k2, (NUM_LEVELS, VOCAB, TOKEN_DIM), dtype=jnp.float32) * 0.02
    return {"xi": xi, "W": W}

def reference(xi, W):
    # Faithful to AudioEmbedding.forward with external_mode=None, capabilities=None:
    #   offset = 0
    #   quant_level = xi.shape[-1] - 1  (xi is 2D)
    #   sums=True and quant_level > 0 ->
    #     x = sum_{k=0}^{quant_level-1} embeddings[k](xi[:, k])
    quant_level = xi.shape[-1] - 1
    offset = 0
    x = jnp.take(W[0 + offset], xi[:, 0], axis=0)
    for k in range(1, quant_level):
        x = x + jnp.take(W[k + offset], xi[:, k], axis=0)
    return x

if __name__ == "__main__":
    import jax
    _d = setup_inputs()
    print(jax.jit(kernel)(*tuple(_d.values())))

</pallas_src>

<mosaic_0001>
#map = affine_map<(d0, d1) -> (0, 0)>
#map1 = affine_map<(d0, d1) -> (0, 0, 0)>
module attributes {stable_mosaic.version = 14 : i64} {
  func.func @embed(%arg0: i32, %arg1: i32, %arg2: memref<8200x512xi32, #tpu.memory_space<hbm>>, %arg3: memref<32x7x512xi32, #tpu.memory_space<hbm>>, %arg4: memref<16384x1024xf32, #tpu.memory_space<hbm>>, %arg5: memref<7x512xi32, #tpu.memory_space<vmem>>, %arg6: memref<3x7x8x512xi32, #tpu.memory_space<vmem>>, %arg7: memref<8x1024xf32, #tpu.memory_space<vmem>>, %arg8: memref<8x1024xf32, #tpu.memory_space<vmem>>, %arg9: memref<3x!tpu.dma_semaphore, #tpu.memory_space<semaphore_mem>>, %arg10: memref<!tpu.dma_semaphore, #tpu.memory_space<semaphore_mem>>, %arg11: memref<!tpu.dma_semaphore, #tpu.memory_space<semaphore_mem>>) attributes {dimension_semantics = [#tpu.dimension_semantics<core_parallel>, #tpu.dimension_semantics<subcore_parallel>], iteration_bounds = array<i64: 2, 16>, scalar_prefetch = 0 : i64, scratch_operands = 7 : i64, tpu.core_type = #tpu.core_type<sc_vector_subcore>, window_params = [{transform_indices = #map}, {transform_indices = #map1}, {transform_indices = #map}]} {
    %mul3A = arith.constant 2 : i32
    %mul3A_0 = arith.muli %arg1, %mul3A : i32
    %add3A = arith.addi %mul3A_0, %arg0 : i32
    %mul3A_1 = arith.constant 512 : i32
    %mul3A_2 = arith.muli %add3A, %mul3A_1 : i32
    "tpu.region"() ({
      %run_scoped3A = tpu.sem_alloc : memref<!tpu.dma_semaphore, #tpu.memory_space<semaphore_mem>>
      %dma_start3A_256 = arith.constant 0 : i32
      %dma_start3A_257 = arith.constant 0 : i32
      %dma_start3A_258 = tpu.memref_slice %arg3[%add3A, %dma_start3A_256, %dma_start3A_257] : memref<32x7x512xi32, #tpu.memory_space<hbm>> -> memref<1x7x512xi32, #tpu.memory_space<hbm>>
      %dma_start3A_259 = tpu.memref_squeeze %dma_start3A_258 : memref<1x7x512xi32, #tpu.memory_space<hbm>> -> memref<7x512xi32, #tpu.memory_space<hbm>>
      %dma_start3A_260 = arith.constant 0 : i32
      %dma_start3A_261 = arith.constant 0 : i32
      %dma_start3A_262 = tpu.memref_slice %arg3[%add3A, %dma_start3A_260, %dma_start3A_261] : memref<32x7x512xi32, #tpu.memory_space<hbm>> -> memref<1x7x512xi32, #tpu.memory_space<hbm>>
      %dma_start3A_263 = tpu.memref_squeeze %dma_start3A_262 : memref<1x7x512xi32, #tpu.memory_space<hbm>> -> memref<7x512xi32, #tpu.memory_space<hbm>>
      tpu.enqueue_dma source(%dma_start3A_263 : memref<7x512xi32, #tpu.memory_space<hbm>>) target(%arg5 : memref<7x512xi32, #tpu.memory_space<vmem>>) target_semaphore(%run_scoped3A : memref<!tpu.dma_semaphore, #tpu.memory_space<semaphore_mem>>)
      %dma_wait3A_264 = arith.constant 0 : i32
      %dma_wait3A_265 = arith.constant 0 : i32
      %dma_wait3A_266 = tpu.memref_slice %arg3[%add3A, %dma_wait3A_264, %dma_wait3A_265] : memref<32x7x512xi32, #tpu.memory_space<hbm>> -> memref<1x7x512xi32, #tpu.memory_space<hbm>>
      %dma_wait3A_267 = tpu.memref_squeeze %dma_wait3A_266 : memref<1x7x512xi32, #tpu.memory_space<hbm>> -> memref<7x512xi32, #tpu.memory_space<hbm>>
      %dma_wait3A_268 = arith.constant 0 : i32
      %dma_wait3A_269 = arith.constant 0 : i32
      %dma_wait3A_270 = tpu.memref_slice %arg3[%add3A, %dma_wait3A_268, %dma_wait3A_269] : memref<32x7x512xi32, #tpu.memory_space<hbm>> -> memref<1x7x512xi32, #tpu.memory_space<hbm>>
      %dma_wait3A_271 = tpu.memref_squeeze %dma_wait3A_270 : memref<1x7x512xi32, #tpu.memory_space<hbm>> -> memref<7x512xi32, #tpu.memory_space<hbm>>
      tpu.wait_dma2 semaphore(%run_scoped3A : memref<!tpu.dma_semaphore, #tpu.memory_space<semaphore_mem>>) src(%dma_wait3A_271 : memref<7x512xi32, #tpu.memory_space<hbm>>) dst(%arg5 : memref<7x512xi32, #tpu.memory_space<vmem>>)
      tpu.yield
    }) : () -> ()
    %rem3A = arith.constant 0 : i32
    %rem3A_3 = arith.constant 3 : i32
    %rem3A_4 = arith.remsi %rem3A, %rem3A_3 : i32
    %dma_start3A = arith.constant 0 : i32
    %dma_start3A_5 = arith.constant 0 : i32
    %dma_start3A_6 = arith.constant 0 : i32
    %dma_start3A_7 = arith.constant 0 : i32
    %dma_start3A_8 = tpu.memref_slice %arg6[%rem3A_4, %dma_start3A_5, %dma_start3A_6, %dma_start3A_7] : memref<3x7x8x512xi32, #tpu.memory_space<vmem>> -> memref<1x1x8x512xi32, #tpu.memory_space<vmem>>
    %dma_start3A_9 = tpu.memref_squeeze %dma_start3A_8 : memref<1x1x8x512xi32, #tpu.memory_space<vmem>> -> memref<8x512xi32, #tpu.memory_space<vmem>>
    %dma_start3A_10 = arith.constant 0 : i32
    %dma_start3A_11 = tpu.memref_slice %arg5[%dma_start3A, %dma_start3A_10] : memref<7x512xi32, #tpu.memory_space<vmem>> -> memref<1x8xi32, #tpu.memory_space<vmem>>
    %dma_start3A_12 = tpu.memref_squeeze %dma_start3A_11 : memref<1x8xi32, #tpu.memory_space<vmem>> -> memref<8xi32, #tpu.memory_space<vmem>>
    %dma_start3A_13 = arith.constant 0 : i32
    %dma_start3A_14 = arith.constant 0 : i32
    %dma_start3A_15 = tpu.memref_slice %arg2[%dma_start3A_13, %dma_start3A_14] : memref<8200x512xi32, #tpu.memory_space<hbm>> -> memref<8200x512xi32, #tpu.memory_space<hbm>>
    %dma_start3A_16 = tpu.memref_slice %arg9[%rem3A_4] : memref<3x!tpu.dma_semaphore, #tpu.memory_space<semaphore_mem>> -> memref<1x!tpu.dma_semaphore, #tpu.memory_space<semaphore_mem>>
    %dma_start3A_17 = tpu.memref_squeeze %dma_start3A_16 : memref<1x!tpu.dma_semaphore, #tpu.memory_space<semaphore_mem>> -> memref<!tpu.dma_semaphore, #tpu.memory_space<semaphore_mem>>
    tpu.enqueue_indirect_dma source(%dma_start3A_15 : memref<8200x512xi32, #tpu.memory_space<hbm>>) target(%dma_start3A_9 : memref<8x512xi32, #tpu.memory_space<vmem>>) offsets(%dma_start3A_12 : memref<8xi32, #tpu.memory_space<vmem>>) semaphore(%dma_start3A_17 : memref<!tpu.dma_semaphore, #tpu.memory_space<semaphore_mem>>)
    %rem3A_18 = arith.constant 0 : i32
    %rem3A_19 = arith.constant 3 : i32
    %rem3A_20 = arith.remsi %rem3A_18, %rem3A_19 : i32
    %dma_start3A_21 = arith.constant 1 : i32
    %dma_start3A_22 = arith.constant 1 : i32
    %dma_start3A_23 = arith.constant 0 : i32
    %dma_start3A_24 = arith.constant 0 : i32
    %dma_start3A_25 = tpu.memref_slice %arg6[%rem3A_20, %dma_start3A_22, %dma_start3A_23, %dma_start3A_24] : memref<3x7x8x512xi32, #tpu.memory_space<vmem>> -> memref<1x1x8x512xi32, #tpu.memory_space<vmem>>
    %dma_start3A_26 = tpu.memref_squeeze %dma_start3A_25 : memref<1x1x8x512xi32, #tpu.memory_space<vmem>> -> memref<8x512xi32, #tpu.memory_space<vmem>>
    %dma_start3A_27 = arith.constant 0 : i32
    %dma_start3A_28 = tpu.memref_slice %arg5[%dma_start3A_21, %dma_start3A_27] : memref<7x512xi32, #tpu.memory_space<vmem>> -> memref<1x8xi32, #tpu.memory_space<vmem>>
    %dma_start3A_29 = tpu.memref_squeeze %dma_start3A_28 : memref<1x8xi32, #tpu.memory_space<vmem>> -> memref<8xi32, #tpu.memory_space<vmem>>
    %dma_start3A_30 = arith.constant 0 : i32
    %dma_start3A_31 = arith.constant 0 : i32
    %dma_start3A_32 = tpu.memref_slice %arg2[%dma_start3A_30, %dma_start3A_31] : memref<8200x512xi32, #tpu.memory_space<hbm>> -> memref<8200x512xi32, #tpu.memory_space<hbm>>
    %dma_start3A_33 = tpu.memref_slice %arg9[%rem3A_20] : memref<3x!tpu.dma_semaphore, #tpu.memory_space<semaphore_mem>> -> memref<1x!tpu.dma_semaphore, #tpu.memory_space<semaphore_mem>>
    %dma_start3A_34 = tpu.memref_squeeze %dma_start3A_33 : memref<1x!tpu.dma_semaphore, #tpu.memory_space<semaphore_mem>> -> memref<!tpu.dma_semaphore, #tpu.memory_space<semaphore_mem>>
    tpu.enqueue_indirect_dma source(%dma_start3A_32 : memref<8200x512xi32, #tpu.memory_space<hbm>>) target(%dma_start3A_26 : memref<8x512xi32, #tpu.memory_space<vmem>>) offsets(%dma_start3A_29 : memref<8xi32, #tpu.memory_space<vmem>>) semaphore(%dma_start3A_34 : memref<!tpu.dma_semaphore, #tpu.memory_space<semaphore_mem>>)
    %rem3A_35 = arith.constant 0 : i32
    %rem3A_36 = arith.constant 3 : i32
    %rem3A_37 = arith.remsi %rem3A_35, %rem3A_36 : i32
    %dma_start3A_38 = arith.constant 2 : i32
    %dma_start3A_39 = arith.constant 2 : i32
    %dma_start3A_40 = arith.constant 0 : i32
    %dma_start3A_41 = arith.constant 0 : i32
    %dma_start3A_42 = tpu.memref_slice %arg6[%rem3A_37, %dma_start3A_39, %dma_start3A_40, %dma_start3A_41] : memref<3x7x8x512xi32, #tpu.memory_space<vmem>> -> memref<1x1x8x512xi32, #tpu.memory_space<vmem>>
    %dma_start3A_43 = tpu.memref_squeeze %dma_start3A_42 : memref<1x1x8x512xi32, #tpu.memory_space<vmem>> -> memref<8x512xi32, #tpu.memory_space<vmem>>
    %dma_start3A_44 = arith.constant 0 : i32
    %dma_start3A_45 = tpu.memref_slice %arg5[%dma_start3A_38, %dma_start3A_44] : memref<7x512xi32, #tpu.memory_space<vmem>> -> memref<1x8xi32, #tpu.memory_space<vmem>>
    %dma_start3A_46 = tpu.memref_squeeze %dma_start3A_45 : memref<1x8xi32, #tpu.memory_space<vmem>> -> memref<8xi32, #tpu.memory_space<vmem>>
    %dma_start3A_47 = arith.constant 0 : i32
    %dma_start3A_48 = arith.constant 0 : i32
    %dma_start3A_49 = tpu.memref_slice %arg2[%dma_start3A_47, %dma_start3A_48] : memref<8200x512xi32, #tpu.memory_space<hbm>> -> memref<8200x512xi32, #tpu.memory_space<hbm>>
    %dma_start3A_50 = tpu.memref_slice %arg9[%rem3A_37] : memref<3x!tpu.dma_semaphore, #tpu.memory_space<semaphore_mem>> -> memref<1x!tpu.dma_semaphore, #tpu.memory_space<semaphore_mem>>
    %dma_start3A_51 = tpu.memref_squeeze %dma_start3A_50 : memref<1x!tpu.dma_semaphore, #tpu.memory_space<semaphore_mem>> -> memref<!tpu.dma_semaphore, #tpu.memory_space<semaphore_mem>>
    tpu.enqueue_indirect_dma source(%dma_start3A_49 : memref<8200x512xi32, #tpu.memory_space<hbm>>) target(%dma_start3A_43 : memref<8x512xi32, #tpu.memory_space<vmem>>) offsets(%dma_start3A_46 : memref<8xi32, #tpu.memory_space<vmem>>) semaphore(%dma_start3A_51 : memref<!tpu.dma_semaphore, #tpu.memory_space<semaphore_mem>>)
    %rem3A_52 = arith.constant 0 : i32
    %rem3A_53 = arith.constant 3 : i32
    %rem3A_54 = arith.remsi %rem3A_52, %rem3A_53 : i32
    %dma_start3A_55 = arith.constant 3 : i32
    %dma_start3A_56 = arith.constant 3 : i32
    %dma_start3A_57 = arith.constant 0 : i32
    %dma_start3A_58 = arith.constant 0 : i32
    %dma_start3A_59 = tpu.memref_slice %arg6[%rem3A_54, %dma_start3A_56, %dma_start3A_57, %dma_start3A_58] : memref<3x7x8x512xi32, #tpu.memory_space<vmem>> -> memref<1x1x8x512xi32, #tpu.memory_space<vmem>>
    %dma_start3A_60 = tpu.memref_squeeze %dma_start3A_59 : memref<1x1x8x512xi32, #tpu.memory_space<vmem>> -> memref<8x512xi32, #tpu.memory_space<vmem>>
    %dma_start3A_61 = arith.constant 0 : i32
    %dma_start3A_62 = tpu.memref_slice %arg5[%dma_start3A_55, %dma_start3A_61] : memref<7x512xi32, #tpu.memory_space<vmem>> -> memref<1x8xi32, #tpu.memory_space<vmem>>
    %dma_start3A_63 = tpu.memref_squeeze %dma_start3A_62 : memref<1x8xi32, #tpu.memory_space<vmem>> -> memref<8xi32, #tpu.memory_space<vmem>>
    %dma_start3A_64 = arith.constant 0 : i32
    %dma_start3A_65 = arith.constant 0 : i32
    %dma_start3A_66 = tpu.memref_slice %arg2[%dma_start3A_64, %dma_start3A_65] : memref<8200x512xi32, #tpu.memory_space<hbm>> -> memref<8200x512xi32, #tpu.memory_space<hbm>>
    %dma_start3A_67 = tpu.memref_slice %arg9[%rem3A_54] : memref<3x!tpu.dma_semaphore, #tpu.memory_space<semaphore_mem>> -> memref<1x!tpu.dma_semaphore, #tpu.memory_space<semaphore_mem>>
    %dma_start3A_68 = tpu.memref_squeeze %dma_start3A_67 : memref<1x!tpu.dma_semaphore, #tpu.memory_space<semaphore_mem>> -> memref<!tpu.dma_semaphore, #tpu.memory_space<semaphore_mem>>
    tpu.enqueue_indirect_dma source(%dma_start3A_66 : memref<8200x512xi32, #tpu.memory_space<hbm>>) target(%dma_start3A_60 : memref<8x512xi32, #tpu.memory_space<vmem>>) offsets(%dma_start3A_63 : memref<8xi32, #tpu.memory_space<vmem>>) semaphore(%dma_start3A_68 : memref<!tpu.dma_semaphore, #tpu.memory_space<semaphore_mem>>)
    %rem3A_69 = arith.constant 0 : i32
    %rem3A_70 = arith.constant 3 : i32
    %rem3A_71 = arith.remsi %rem3A_69, %rem3A_70 : i32
    %dma_start3A_72 = arith.constant 4 : i32
    %dma_start3A_73 = arith.constant 4 : i32
    %dma_start3A_74 = arith.constant 0 : i32
    %dma_start3A_75 = arith.constant 0 : i32
    %dma_start3A_76 = tpu.memref_slice %arg6[%rem3A_71, %dma_start3A_73, %dma_start3A_74, %dma_start3A_75] : memref<3x7x8x512xi32, #tpu.memory_space<vmem>> -> memref<1x1x8x512xi32, #tpu.memory_space<vmem>>
    %dma_start3A_77 = tpu.memref_squeeze %dma_start3A_76 : memref<1x1x8x512xi32, #tpu.memory_space<vmem>> -> memref<8x512xi32, #tpu.memory_space<vmem>>
    %dma_start3A_78 = arith.constant 0 : i32
    %dma_start3A_79 = tpu.memref_slice %arg5[%dma_start3A_72, %dma_start3A_78] : memref<7x512xi32, #tpu.memory_space<vmem>> -> memref<1x8xi32, #tpu.memory_space<vmem>>
    %dma_start3A_80 = tpu.memref_squeeze %dma_start3A_79 : memref<1x8xi32, #tpu.memory_space<vmem>> -> memref<8xi32, #tpu.memory_space<vmem>>
    %dma_start3A_81 = arith.constant 0 : i32
    %dma_start3A_82 = arith.constant 0 : i32
    %dma_start3A_83 = tpu.memref_slice %arg2[%dma_start3A_81, %dma_start3A_82] : memref<8200x512xi32, #tpu.memory_space<hbm>> -> memref<8200x512xi32, #tpu.memory_space<hbm>>
    %dma_start3A_84 = tpu.memref_slice %arg9[%rem3A_71] : memref<3x!tpu.dma_semaphore, #tpu.memory_space<semaphore_mem>> -> memref<1x!tpu.dma_semaphore, #tpu.memory_space<semaphore_mem>>
    %dma_start3A_85 = tpu.memref_squeeze %dma_start3A_84 : memref<1x!tpu.dma_semaphore, #tpu.memory_space<semaphore_mem>> -> memref<!tpu.dma_semaphore, #tpu.memory_space<semaphore_mem>>
    tpu.enqueue_indirect_dma source(%dma_start3A_83 : memref<8200x512xi32, #tpu.memory_space<hbm>>) target(%dma_start3A_77 : memref<8x512xi32, #tpu.memory_space<vmem>>) offsets(%dma_start3A_80 : memref<8xi32, #tpu.memory_space<vmem>>) semaphore(%dma_start3A_85 : memref<!tpu.dma_semaphore, #tpu.memory_space<semaphore_mem>>)
    %rem3A_86 = arith.constant 0 : i32
    %rem3A_87 = arith.constant 3 : i32
    %rem3A_88 = arith.remsi %rem3A_86, %rem3A_87 : i32
    %dma_start3A_89 = arith.constant 5 : i32
    %dma_start3A_90 = arith.constant 5 : i32
    %dma_start3A_91 = arith.constant 0 : i32
    %dma_start3A_92 = arith.constant 0 : i32
    %dma_start3A_93 = tpu.memref_slice %arg6[%rem3A_88, %dma_start3A_90, %dma_start3A_91, %dma_start3A_92] : memref<3x7x8x512xi32, #tpu.memory_space<vmem>> -> memref<1x1x8x512xi32, #tpu.memory_space<vmem>>
    %dma_start3A_94 = tpu.memref_squeeze %dma_start3A_93 : memref<1x1x8x512xi32, #tpu.memory_space<vmem>> -> memref<8x512xi32, #tpu.memory_space<vmem>>
    %dma_start3A_95 = arith.constant 0 : i32
    %dma_start3A_96 = tpu.memref_slice %arg5[%dma_start3A_89, %dma_start3A_95] : memref<7x512xi32, #tpu.memory_space<vmem>> -> memref<1x8xi32, #tpu.memory_space<vmem>>
    %dma_start3A_97 = tpu.memref_squeeze %dma_start3A_96 : memref<1x8xi32, #tpu.memory_space<vmem>> -> memref<8xi32, #tpu.memory_space<vmem>>
    %dma_start3A_98 = arith.constant 0 : i32
    %dma_start3A_99 = arith.constant 0 : i32
    %dma_start3A_100 = tpu.memref_slice %arg2[%dma_start3A_98, %dma_start3A_99] : memref<8200x512xi32, #tpu.memory_space<hbm>> -> memref<8200x512xi32, #tpu.memory_space<hbm>>
    %dma_start3A_101 = tpu.memref_slice %arg9[%rem3A_88] : memref<3x!tpu.dma_semaphore, #tpu.memory_space<semaphore_mem>> -> memref<1x!tpu.dma_semaphore, #tpu.memory_space<semaphore_mem>>
    %dma_start3A_102 = tpu.memref_squeeze %dma_start3A_101 : memref<1x!tpu.dma_semaphore, #tpu.memory_space<semaphore_mem>> -> memref<!tpu.dma_semaphore, #tpu.memory_space<semaphore_mem>>
    tpu.enqueue_indirect_dma source(%dma_start3A_100 : memref<8200x512xi32, #tpu.memory_space<hbm>>) target(%dma_start3A_94 : memref<8x512xi32, #tpu.memory_space<vmem>>) offsets(%dma_start3A_97 : memref<8xi32, #tpu.memory_space<vmem>>) semaphore(%dma_start3A_102 : memref<!tpu.dma_semaphore, #tpu.memory_space<semaphore_mem>>)
    %rem3A_103 = arith.constant 0 : i32
    %rem3A_104 = arith.constant 3 : i32
    %rem3A_105 = arith.remsi %rem3A_103, %rem3A_104 : i32
    %dma_start3A_106 = arith.constant 6 : i32
    %dma_start3A_107 = arith.constant 6 : i32
    %dma_start3A_108 = arith.constant 0 : i32
    %dma_start3A_109 = arith.constant 0 : i32
    %dma_start3A_110 = tpu.memref_slice %arg6[%rem3A_105, %dma_start3A_107, %dma_start3A_108, %dma_start3A_109] : memref<3x7x8x512xi32, #tpu.memory_space<vmem>> -> memref<1x1x8x512xi32, #tpu.memory_space<vmem>>
    %dma_start3A_111 = tpu.memref_squeeze %dma_start3A_110 : memref<1x1x8x512xi32, #tpu.memory_space<vmem>> -> memref<8x512xi32, #tpu.memory_space<vmem>>
    %dma_start3A_112 = arith.constant 0 : i32
    %dma_start3A_113 = tpu.memref_slice %arg5[%dma_start3A_106, %dma_start3A_112] : memref<7x512xi32, #tpu.memory_space<vmem>> -> memref<1x8xi32, #tpu.memory_space<vmem>>
    %dma_start3A_114 = tpu.memref_squeeze %dma_start3A_113 : memref<1x8xi32, #tpu.memory_space<vmem>> -> memref<8xi32, #tpu.memory_space<vmem>>
    %dma_start3A_115 = arith.constant 0 : i32
    %dma_start3A_116 = arith.constant 0 : i32
    %dma_start3A_117 = tpu.memref_slice %arg2[%dma_start3A_115, %dma_start3A_116] : memref<8200x512xi32, #tpu.memory_space<hbm>> -> memref<8200x512xi32, #tpu.memory_space<hbm>>
    %dma_start3A_118 = tpu.memref_slice %arg9[%rem3A_105] : memref<3x!tpu.dma_semaphore, #tpu.memory_space<semaphore_mem>> -> memref<1x!tpu.dma_semaphore, #tpu.memory_space<semaphore_mem>>
    %dma_start3A_119 = tpu.memref_squeeze %dma_start3A_118 : memref<1x!tpu.dma_semaphore, #tpu.memory_space<semaphore_mem>> -> memref<!tpu.dma_semaphore, #tpu.memory_space<semaphore_mem>>
    tpu.enqueue_indirect_dma source(%dma_start3A_117 : memref<8200x512xi32, #tpu.memory_space<hbm>>) target(%dma_start3A_111 : memref<8x512xi32, #tpu.memory_space<vmem>>) offsets(%dma_start3A_114 : memref<8xi32, #tpu.memory_space<vmem>>) semaphore(%dma_start3A_119 : memref<!tpu.dma_semaphore, #tpu.memory_space<semaphore_mem>>)
    %rem3A_120 = arith.constant 1 : i32
    %rem3A_121 = arith.constant 3 : i32
    %rem3A_122 = arith.remsi %rem3A_120, %rem3A_121 : i32
    %dma_start3A_123 = arith.constant 0 : i32
    %dma_start3A_124 = arith.constant 0 : i32
    %dma_start3A_125 = arith.constant 0 : i32
    %dma_start3A_126 = arith.constant 0 : i32
    %dma_start3A_127 = tpu.memref_slice %arg6[%rem3A_122, %dma_start3A_124, %dma_start3A_125, %dma_start3A_126] : memref<3x7x8x512xi32, #tpu.memory_space<vmem>> -> memref<1x1x8x512xi32, #tpu.memory_space<vmem>>
    %dma_start3A_128 = tpu.memref_squeeze %dma_start3A_127 : memref<1x1x8x512xi32, #tpu.memory_space<vmem>> -> memref<8x512xi32, #tpu.memory_space<vmem>>
    %dma_start3A_129 = arith.constant 8 : i32
    %dma_start3A_130 = tpu.memref_slice %arg5[%dma_start3A_123, %dma_start3A_129] : memref<7x512xi32, #tpu.memory_space<vmem>> -> memref<1x8xi32, #tpu.memory_space<vmem>>
    %dma_start3A_131 = tpu.memref_squeeze %dma_start3A_130 : memref<1x8xi32, #tpu.memory_space<vmem>> -> memref<8xi32, #tpu.memory_space<vmem>>
    %dma_start3A_132 = arith.constant 0 : i32
    %dma_start3A_133 = arith.constant 0 : i32
    %dma_start3A_134 = tpu.memref_slice %arg2[%dma_start3A_132, %dma_start3A_133] : memref<8200x512xi32, #tpu.memory_space<hbm>> -> memref<8200x512xi32, #tpu.memory_space<hbm>>
    %dma_start3A_135 = tpu.memref_slice %arg9[%rem3A_122] : memref<3x!tpu.dma_semaphore, #tpu.memory_space<semaphore_mem>> -> memref<1x!tpu.dma_semaphore, #tpu.memory_space<semaphore_mem>>
    %dma_start3A_136 = tpu.memref_squeeze %dma_start3A_135 : memref<1x!tpu.dma_semaphore, #tpu.memory_space<semaphore_mem>> -> memref<!tpu.dma_semaphore, #tpu.memory_space<semaphore_mem>>
    tpu.enqueue_indirect_dma source(%dma_start3A_134 : memref<8200x512xi32, #tpu.memory_space<hbm>>) target(%dma_start3A_128 : memref<8x512xi32, #tpu.memory_space<vmem>>) offsets(%dma_start3A_131 : memref<8xi32, #tpu.memory_space<vmem>>) semaphore(%dma_start3A_136 : memref<!tpu.dma_semaphore, #tpu.memory_space<semaphore_mem>>)
    %rem3A_137 = arith.constant 1 : i32
    %rem3A_138 = arith.constant 3 : i32
    %rem3A_139 = arith.remsi %rem3A_137, %rem3A_138 : i32
    %dma_start3A_140 = arith.constant 1 : i32
    %dma_start3A_141 = arith.constant 1 : i32
    %dma_start3A_142 = arith.constant 0 : i32
    %dma_start3A_143 = arith.constant 0 : i32
    %dma_start3A_144 = tpu.memref_slice %arg6[%rem3A_139, %dma_start3A_141, %dma_start3A_142, %dma_start3A_143] : memref<3x7x8x512xi32, #tpu.memory_space<vmem>> -> memref<1x1x8x512xi32, #tpu.memory_space<vmem>>
    %dma_start3A_145 = tpu.memref_squeeze %dma_start3A_144 : memref<1x1x8x512xi32, #tpu.memory_space<vmem>> -> memref<8x512xi32, #tpu.memory_space<vmem>>
    %dma_start3A_146 = arith.constant 8 : i32
    %dma_start3A_147 = tpu.memref_slice %arg5[%dma_start3A_140, %dma_start3A_146] : memref<7x512xi32, #tpu.memory_space<vmem>> -> memref<1x8xi32, #tpu.memory_space<vmem>>
    %dma_start3A_148 = tpu.memref_squeeze %dma_start3A_147 : memref<1x8xi32, #tpu.memory_space<vmem>> -> memref<8xi32, #tpu.memory_space<vmem>>
    %dma_start3A_149 = arith.constant 0 : i32
    %dma_start3A_150 = arith.constant 0 : i32
    %dma_start3A_151 = tpu.memref_slice %arg2[%dma_start3A_149, %dma_start3A_150] : memref<8200x512xi32, #tpu.memory_space<hbm>> -> memref<8200x512xi32, #tpu.memory_space<hbm>>
    %dma_start3A_152 = tpu.memref_slice %arg9[%rem3A_139] : memref<3x!tpu.dma_semaphore, #tpu.memory_space<semaphore_mem>> -> memref<1x!tpu.dma_semaphore, #tpu.memory_space<semaphore_mem>>
    %dma_start3A_153 = tpu.memref_squeeze %dma_start3A_152 : memref<1x!tpu.dma_semaphore, #tpu.memory_space<semaphore_mem>> -> memref<!tpu.dma_semaphore, #tpu.memory_space<semaphore_mem>>
    tpu.enqueue_indirect_dma source(%dma_start3A_151 : memref<8200x512xi32, #tpu.memory_space<hbm>>) target(%dma_start3A_145 : memref<8x512xi32, #tpu.memory_space<vmem>>) offsets(%dma_start3A_148 : memref<8xi32, #tpu.memory_space<vmem>>) semaphore(%dma_start3A_153 : memref<!tpu.dma_semaphore, #tpu.memory_space<semaphore_mem>>)
    %rem3A_154 = arith.constant 1 : i32
    %rem3A_155 = arith.constant 3 : i32
    %rem3A_156 = arith.remsi %rem3A_154, %rem3A_155 : i32
    %dma_start3A_157 = arith.constant 2 : i32
    %dma_start3A_158 = arith.constant 2 : i32
    %dma_start3A_159 = arith.constant 0 : i32
    %dma_start3A_160 = arith.constant 0 : i32
    %dma_start3A_161 = tpu.memref_slice %arg6[%rem3A_156, %dma_start3A_158, %dma_start3A_159, %dma_start3A_160] : memref<3x7x8x512xi32, #tpu.memory_space<vmem>> -> memref<1x1x8x512xi32, #tpu.memory_space<vmem>>
    %dma_start3A_162 = tpu.memref_squeeze %dma_start3A_161 : memref<1x1x8x512xi32, #tpu.memory_space<vmem>> -> memref<8x512xi32, #tpu.memory_space<vmem>>
    %dma_start3A_163 = arith.constant 8 : i32
    %dma_start3A_164 = tpu.memref_slice %arg5[%dma_start3A_157, %dma_start3A_163] : memref<7x512xi32, #tpu.memory_space<vmem>> -> memref<1x8xi32, #tpu.memory_space<vmem>>
    %dma_start3A_165 = tpu.memref_squeeze %dma_start3A_164 : memref<1x8xi32, #tpu.memory_space<vmem>> -> memref<8xi32, #tpu.memory_space<vmem>>
    %dma_start3A_166 = arith.constant 0 : i32
    %dma_start3A_167 = arith.constant 0 : i32
    %dma_start3A_168 = tpu.memref_slice %arg2[%dma_start3A_166, %dma_start3A_167] : memref<8200x512xi32, #tpu.memory_space<hbm>> -> memref<8200x512xi32, #tpu.memory_space<hbm>>
    %dma_start3A_169 = tpu.memref_slice %arg9[%rem3A_156] : memref<3x!tpu.dma_semaphore, #tpu.memory_space<semaphore_mem>> -> memref<1x!tpu.dma_semaphore, #tpu.memory_space<semaphore_mem>>
    %dma_start3A_170 = tpu.memref_squeeze %dma_start3A_169 : memref<1x!tpu.dma_semaphore, #tpu.memory_space<semaphore_mem>> -> memref<!tpu.dma_semaphore, #tpu.memory_space<semaphore_mem>>
    tpu.enqueue_indirect_dma source(%dma_start3A_168 : memref<8200x512xi32, #tpu.memory_space<hbm>>) target(%dma_start3A_162 : memref<8x512xi32, #tpu.memory_space<vmem>>) offsets(%dma_start3A_165 : memref<8xi32, #tpu.memory_space<vmem>>) semaphore(%dma_start3A_170 : memref<!tpu.dma_semaphore, #tpu.memory_space<semaphore_mem>>)
    %rem3A_171 = arith.constant 1 : i32
    %rem3A_172 = arith.constant 3 : i32
    %rem3A_173 = arith.remsi %rem3A_171, %rem3A_172 : i32
    %dma_start3A_174 = arith.constant 3 : i32
    %dma_start3A_175 = arith.constant 3 : i32
    %dma_start3A_176 = arith.constant 0 : i32
    %dma_start3A_177 = arith.constant 0 : i32
    %dma_start3A_178 = tpu.memref_slice %arg6[%rem3A_173, %dma_start3A_175, %dma_start3A_176, %dma_start3A_177] : memref<3x7x8x512xi32, #tpu.memory_space<vmem>> -> memref<1x1x8x512xi32, #tpu.memory_space<vmem>>
    %dma_start3A_179 = tpu.memref_squeeze %dma_start3A_178 : memref<1x1x8x512xi32, #tpu.memory_space<vmem>> -> memref<8x512xi32, #tpu.memory_space<vmem>>
    %dma_start3A_180 = arith.constant 8 : i32
    %dma_start3A_181 = tpu.memref_slice %arg5[%dma_start3A_174, %dma_start3A_180] : memref<7x512xi32, #tpu.memory_space<vmem>> -> memref<1x8xi32, #tpu.memory_space<vmem>>
    %dma_start3A_182 = tpu.memref_squeeze %dma_start3A_181 : memref<1x8xi32, #tpu.memory_space<vmem>> -> memref<8xi32, #tpu.memory_space<vmem>>
    %dma_start3A_183 = arith.constant 0 : i32
    %dma_start3A_184 = arith.constant 0 : i32
    %dma_start3A_185 = tpu.memref_slice %arg2[%dma_start3A_183, %dma_start3A_184] : memref<8200x512xi32, #tpu.memory_space<hbm>> -> memref<8200x512xi32, #tpu.memory_space<hbm>>
    %dma_start3A_186 = tpu.memref_slice %arg9[%rem3A_173] : memref<3x!tpu.dma_semaphore, #tpu.memory_space<semaphore_mem>> -> memref<1x!tpu.dma_semaphore, #tpu.memory_space<semaphore_mem>>
    %dma_start3A_187 = tpu.memref_squeeze %dma_start3A_186 : memref<1x!tpu.dma_semaphore, #tpu.memory_space<semaphore_mem>> -> memref<!tpu.dma_semaphore, #tpu.memory_space<semaphore_mem>>
    tpu.enqueue_indirect_dma source(%dma_start3A_185 : memref<8200x512xi32, #tpu.memory_space<hbm>>) target(%dma_start3A_179 : memref<8x512xi32, #tpu.memory_space<vmem>>) offsets(%dma_start3A_182 : memref<8xi32, #tpu.memory_space<vmem>>) semaphore(%dma_start3A_187 : memref<!tpu.dma_semaphore, #tpu.memory_space<semaphore_mem>>)
    %rem3A_188 = arith.constant 1 : i32
    %rem3A_189 = arith.constant 3 : i32
    %rem3A_190 = arith.remsi %rem3A_188, %rem3A_189 : i32
    %dma_start3A_191 = arith.constant 4 : i32
    %dma_start3A_192 = arith.constant 4 : i32
    %dma_start3A_193 = arith.constant 0 : i32
    %dma_start3A_194 = arith.constant 0 : i32
    %dma_start3A_195 = tpu.memref_slice %arg6[%rem3A_190, %dma_start3A_192, %dma_start3A_193, %dma_start3A_194] : memref<3x7x8x512xi32, #tpu.memory_space<vmem>> -> memref<1x1x8x512xi32, #tpu.memory_space<vmem>>
    %dma_start3A_196 = tpu.memref_squeeze %dma_start3A_195 : memref<1x1x8x512xi32, #tpu.memory_space<vmem>> -> memref<8x512xi32, #tpu.memory_space<vmem>>
    %dma_start3A_197 = arith.constant 8 : i32
    %dma_start3A_198 = tpu.memref_slice %arg5[%dma_start3A_191, %dma_start3A_197] : memref<7x512xi32, #tpu.memory_space<vmem>> -> memref<1x8xi32, #tpu.memory_space<vmem>>
    %dma_start3A_199 = tpu.memref_squeeze %dma_start3A_198 : memref<1x8xi32, #tpu.memory_space<vmem>> -> memref<8xi32, #tpu.memory_space<vmem>>
    %dma_start3A_200 = arith.constant 0 : i32
    %dma_start3A_201 = arith.constant 0 : i32
    %dma_start3A_202 = tpu.memref_slice %arg2[%dma_start3A_200, %dma_start3A_201] : memref<8200x512xi32, #tpu.memory_space<hbm>> -> memref<8200x512xi32, #tpu.memory_space<hbm>>
    %dma_start3A_203 = tpu.memref_slice %arg9[%rem3A_190] : memref<3x!tpu.dma_semaphore, #tpu.memory_space<semaphore_mem>> -> memref<1x!tpu.dma_semaphore, #tpu.memory_space<semaphore_mem>>
    %dma_start3A_204 = tpu.memref_squeeze %dma_start3A_203 : memref<1x!tpu.dma_semaphore, #tpu.memory_space<semaphore_mem>> -> memref<!tpu.dma_semaphore, #tpu.memory_space<semaphore_mem>>
    tpu.enqueue_indirect_dma source(%dma_start3A_202 : memref<8200x512xi32, #tpu.memory_space<hbm>>) target(%dma_start3A_196 : memref<8x512xi32, #tpu.memory_space<vmem>>) offsets(%dma_start3A_199 : memref<8xi32, #tpu.memory_space<vmem>>) semaphore(%dma_start3A_204 : memref<!tpu.dma_semaphore, #tpu.memory_space<semaphore_mem>>)
    %rem3A_205 = arith.constant 1 : i32
    %rem3A_206 = arith.constant 3 : i32
    %rem3A_207 = arith.remsi %rem3A_205, %rem3A_206 : i32
    %dma_start3A_208 = arith.constant 5 : i32
    %dma_start3A_209 = arith.constant 5 : i32
    %dma_start3A_210 = arith.constant 0 : i32
    %dma_start3A_211 = arith.constant 0 : i32
    %dma_start3A_212 = tpu.memref_slice %arg6[%rem3A_207, %dma_start3A_209, %dma_start3A_210, %dma_start3A_211] : memref<3x7x8x512xi32, #tpu.memory_space<vmem>> -> memref<1x1x8x512xi32, #tpu.memory_space<vmem>>
    %dma_start3A_213 = tpu.memref_squeeze %dma_start3A_212 : memref<1x1x8x512xi32, #tpu.memory_space<vmem>> -> memref<8x512xi32, #tpu.memory_space<vmem>>
    %dma_start3A_214 = arith.constant 8 : i32
    %dma_start3A_215 = tpu.memref_slice %arg5[%dma_start3A_208, %dma_start3A_214] : memref<7x512xi32, #tpu.memory_space<vmem>> -> memref<1x8xi32, #tpu.memory_space<vmem>>
    %dma_start3A_216 = tpu.memref_squeeze %dma_start3A_215 : memref<1x8xi32, #tpu.memory_space<vmem>> -> memref<8xi32, #tpu.memory_space<vmem>>
    %dma_start3A_217 = arith.constant 0 : i32
    %dma_start3A_218 = arith.constant 0 : i32
    %dma_start3A_219 = tpu.memref_slice %arg2[%dma_start3A_217, %dma_start3A_218] : memref<8200x512xi32, #tpu.memory_space<hbm>> -> memref<8200x512xi32, #tpu.memory_space<hbm>>
    %dma_start3A_220 = tpu.memref_slice %arg9[%rem3A_207] : memref<3x!tpu.dma_semaphore, #tpu.memory_space<semaphore_mem>> -> memref<1x!tpu.dma_semaphore, #tpu.memory_space<semaphore_mem>>
    %dma_start3A_221 = tpu.memref_squeeze %dma_start3A_220 : memref<1x!tpu.dma_semaphore, #tpu.memory_space<semaphore_mem>> -> memref<!tpu.dma_semaphore, #tpu.memory_space<semaphore_mem>>
    tpu.enqueue_indirect_dma source(%dma_start3A_219 : memref<8200x512xi32, #tpu.memory_space<hbm>>) target(%dma_start3A_213 : memref<8x512xi32, #tpu.memory_space<vmem>>) offsets(%dma_start3A_216 : memref<8xi32, #tpu.memory_space<vmem>>) semaphore(%dma_start3A_221 : memref<!tpu.dma_semaphore, #tpu.memory_space<semaphore_mem>>)
    %rem3A_222 = arith.constant 1 : i32
    %rem3A_223 = arith.constant 3 : i32
    %rem3A_224 = arith.remsi %rem3A_222, %rem3A_223 : i32
    %dma_start3A_225 = arith.constant 6 : i32
    %dma_start3A_226 = arith.constant 6 : i32
    %dma_start3A_227 = arith.constant 0 : i32
    %dma_start3A_228 = arith.constant 0 : i32
    %dma_start3A_229 = tpu.memref_slice %arg6[%rem3A_224, %dma_start3A_226, %dma_start3A_227, %dma_start3A_228] : memref<3x7x8x512xi32, #tpu.memory_space<vmem>> -> memref<1x1x8x512xi32, #tpu.memory_space<vmem>>
    %dma_start3A_230 = tpu.memref_squeeze %dma_start3A_229 : memref<1x1x8x512xi32, #tpu.memory_space<vmem>> -> memref<8x512xi32, #tpu.memory_space<vmem>>
    %dma_start3A_231 = arith.constant 8 : i32
    %dma_start3A_232 = tpu.memref_slice %arg5[%dma_start3A_225, %dma_start3A_231] : memref<7x512xi32, #tpu.memory_space<vmem>> -> memref<1x8xi32, #tpu.memory_space<vmem>>
    %dma_start3A_233 = tpu.memref_squeeze %dma_start3A_232 : memref<1x8xi32, #tpu.memory_space<vmem>> -> memref<8xi32, #tpu.memory_space<vmem>>
    %dma_start3A_234 = arith.constant 0 : i32
    %dma_start3A_235 = arith.constant 0 : i32
    %dma_start3A_236 = tpu.memref_slice %arg2[%dma_start3A_234, %dma_start3A_235] : memref<8200x512xi32, #tpu.memory_space<hbm>> -> memref<8200x512xi32, #tpu.memory_space<hbm>>
    %dma_start3A_237 = tpu.memref_slice %arg9[%rem3A_224] : memref<3x!tpu.dma_semaphore, #tpu.memory_space<semaphore_mem>> -> memref<1x!tpu.dma_semaphore, #tpu.memory_space<semaphore_mem>>
    %dma_start3A_238 = tpu.memref_squeeze %dma_start3A_237 : memref<1x!tpu.dma_semaphore, #tpu.memory_space<semaphore_mem>> -> memref<!tpu.dma_semaphore, #tpu.memory_space<semaphore_mem>>
    tpu.enqueue_indirect_dma source(%dma_start3A_236 : memref<8200x512xi32, #tpu.memory_space<hbm>>) target(%dma_start3A_230 : memref<8x512xi32, #tpu.memory_space<vmem>>) offsets(%dma_start3A_233 : memref<8xi32, #tpu.memory_space<vmem>>) semaphore(%dma_start3A_238 : memref<!tpu.dma_semaphore, #tpu.memory_space<semaphore_mem>>)
    %scan3A = arith.constant 0 : i32
    %scan3A_239 = arith.constant 0 : i32
    %scan3A_240 = arith.constant 32 : i32
    %scan3A_241 = arith.addi %scan3A_239, %scan3A_240 : i32
    %scan3A_242 = arith.constant 1 : i32
    %scan3A_243 = scf.for %scan3A_256 = %scan3A_239 to %scan3A_241 step %scan3A_242 iter_args(%scan3A_257 = %scan3A) -> (i32)  : i32 {
      %mul3A_258 = arith.constant 2 : i32
      %mul3A_259 = arith.muli %scan3A_256, %mul3A_258 : i32
      %add3A_260 = arith.constant 0 : i32
      %add3A_261 = arith.addi %mul3A_259, %add3A_260 : i32
      %add3A_262 = arith.constant 2 : i32
      %add3A_263 = arith.addi %add3A_261, %add3A_262 : i32
      %lt3A = arith.constant 64 : i32
      %lt3A_264 = arith.cmpi slt, %add3A_263, %lt3A : i32
      %convert_element_type3A = arith.extui %lt3A_264 : i1 to i32
      %cond3A = arith.constant 0 : i32
      %cond3A_265 = arith.cmpi ne, %convert_element_type3A, %cond3A : i32
      scf.if %cond3A_265 {
        %add3A_548 = arith.constant 2 : i32
        %add3A_549 = arith.addi %add3A_261, %add3A_548 : i32
        %rem3A_550 = arith.constant 3 : i32
        %rem3A_551 = arith.remsi %add3A_549, %rem3A_550 : i32
        %mul3A_552 = arith.constant 8 : i32
        %mul3A_553 = arith.muli %add3A_549, %mul3A_552 : i32
        %dma_start3A_554 = arith.constant 0 : i32
        %dma_start3A_555 = arith.constant 0 : i32
        %dma_start3A_556 = arith.constant 0 : i32
        %dma_start3A_557 = arith.constant 0 : i32
        %dma_start3A_558 = tpu.memref_slice %arg6[%rem3A_551, %dma_start3A_555, %dma_start3A_556, %dma_start3A_557] : memref<3x7x8x512xi32, #tpu.memory_space<vmem>> -> memref<1x1x8x512xi32, #tpu.memory_space<vmem>>
        %dma_start3A_559 = tpu.memref_squeeze %dma_start3A_558 : memref<1x1x8x512xi32, #tpu.memory_space<vmem>> -> memref<8x512xi32, #tpu.memory_space<vmem>>
        %dma_start3A_560 = tpu.memref_slice %arg5[%dma_start3A_554, %mul3A_553] : memref<7x512xi32, #tpu.memory_space<vmem>> -> memref<1x8xi32, #tpu.memory_space<vmem>>
        %dma_start3A_561 = tpu.memref_squeeze %dma_start3A_560 : memref<1x8xi32, #tpu.memory_space<vmem>> -> memref<8xi32, #tpu.memory_space<vmem>>
        %dma_start3A_562 = arith.constant 0 : i32
        %dma_start3A_563 = arith.constant 0 : i32
        %dma_start3A_564 = tpu.memref_slice %arg2[%dma_start3A_562, %dma_start3A_563] : memref<8200x512xi32, #tpu.memory_space<hbm>> -> memref<8200x512xi32, #tpu.memory_space<hbm>>
        %dma_start3A_565 = tpu.memref_slice %arg9[%rem3A_551] : memref<3x!tpu.dma_semaphore, #tpu.memory_space<semaphore_mem>> -> memref<1x!tpu.dma_semaphore, #tpu.memory_space<semaphore_mem>>
        %dma_start3A_566 = tpu.memref_squeeze %dma_start3A_565 : memref<1x!tpu.dma_semaphore, #tpu.memory_space<semaphore_mem>> -> memref<!tpu.dma_semaphore, #tpu.memory_space<semaphore_mem>>
        tpu.enqueue_indirect_dma source(%dma_start3A_564 : memref<8200x512xi32, #tpu.memory_space<hbm>>) target(%dma_start3A_559 : memref<8x512xi32, #tpu.memory_space<vmem>>) offsets(%dma_start3A_561 : memref<8xi32, #tpu.memory_space<vmem>>) semaphore(%dma_start3A_566 : memref<!tpu.dma_semaphore, #tpu.memory_space<semaphore_mem>>)
        %rem3A_567 = arith.constant 3 : i32
        %rem3A_568 = arith.remsi %add3A_549, %rem3A_567 : i32
        %mul3A_569 = arith.constant 8 : i32
        %mul3A_570 = arith.muli %add3A_549, %mul3A_569 : i32
        %dma_start3A_571 = arith.constant 1 : i32
        %dma_start3A_572 = arith.constant 1 : i32
        %dma_start3A_573 = arith.constant 0 : i32
        %dma_start3A_574 = arith.constant 0 : i32
        %dma_start3A_575 = tpu.memref_slice %arg6[%rem3A_568, %dma_start3A_572, %dma_start3A_573, %dma_start3A_574] : memref<3x7x8x512xi32, #tpu.memory_space<vmem>> -> memref<1x1x8x512xi32, #tpu.memory_space<vmem>>
        %dma_start3A_576 = tpu.memref_squeeze %dma_start3A_575 : memref<1x1x8x512xi32, #tpu.memory_space<vmem>> -> memref<8x512xi32, #tpu.memory_space<vmem>>
        %dma_start3A_577 = tpu.memref_slice %arg5[%dma_start3A_571, %mul3A_570] : memref<7x512xi32, #tpu.memory_space<vmem>> -> memref<1x8xi32, #tpu.memory_space<vmem>>
        %dma_start3A_578 = tpu.memref_squeeze %dma_start3A_577 : memref<1x8xi32, #tpu.memory_space<vmem>> -> memref<8xi32, #tpu.memory_space<vmem>>
        %dma_start3A_579 = arith.constant 0 : i32
        %dma_start3A_580 = arith.constant 0 : i32
        %dma_start3A_581 = tpu.memref_slice %arg2[%dma_start3A_579, %dma_start3A_580] : memref<8200x512xi32, #tpu.memory_space<hbm>> -> memref<8200x512xi32, #tpu.memory_space<hbm>>
        %dma_start3A_582 = tpu.memref_slice %arg9[%rem3A_568] : memref<3x!tpu.dma_semaphore, #tpu.memory_space<semaphore_mem>> -> memref<1x!tpu.dma_semaphore, #tpu.memory_space<semaphore_mem>>
        %dma_start3A_583 = tpu.memref_squeeze %dma_start3A_582 : memref<1x!tpu.dma_semaphore, #tpu.memory_space<semaphore_mem>> -> memref<!tpu.dma_semaphore, #tpu.memory_space<semaphore_mem>>
        tpu.enqueue_indirect_dma source(%dma_start3A_581 : memref<8200x512xi32, #tpu.memory_space<hbm>>) target(%dma_start3A_576 : memref<8x512xi32, #tpu.memory_space<vmem>>) offsets(%dma_start3A_578 : memref<8xi32, #tpu.memory_space<vmem>>) semaphore(%dma_start3A_583 : memref<!tpu.dma_semaphore, #tpu.memory_space<semaphore_mem>>)
        %rem3A_584 = arith.constant 3 : i32
        %rem3A_585 = arith.remsi %add3A_549, %rem3A_584 : i32
        %mul3A_586 = arith.constant 8 : i32
        %mul3A_587 = arith.muli %add3A_549, %mul3A_586 : i32
        %dma_start3A_588 = arith.constant 2 : i32
        %dma_start3A_589 = arith.constant 2 : i32
        %dma_start3A_590 = arith.constant 0 : i32
        %dma_start3A_591 = arith.constant 0 : i32
        %dma_start3A_592 = tpu.memref_slice %arg6[%rem3A_585, %dma_start3A_589, %dma_start3A_590, %dma_start3A_591] : memref<3x7x8x512xi32, #tpu.memory_space<vmem>> -> memref<1x1x8x512xi32, #tpu.memory_space<vmem>>
        %dma_start3A_593 = tpu.memref_squeeze %dma_start3A_592 : memref<1x1x8x512xi32, #tpu.memory_space<vmem>> -> memref<8x512xi32, #tpu.memory_space<vmem>>
        %dma_start3A_594 = tpu.memref_slice %arg5[%dma_start3A_588, %mul3A_587] : memref<7x512xi32, #tpu.memory_space<vmem>> -> memref<1x8xi32, #tpu.memory_space<vmem>>
        %dma_start3A_595 = tpu.memref_squeeze %dma_start3A_594 : memref<1x8xi32, #tpu.memory_space<vmem>> -> memref<8xi32, #tpu.memory_space<vmem>>
        %dma_start3A_596 = arith.constant 0 : i32
        %dma_start3A_597 = arith.constant 0 : i32
        %dma_start3A_598 = tpu.memref_slice %arg2[%dma_start3A_596, %dma_start3A_597] : memref<8200x512xi32, #tpu.memory_space<hbm>> -> memref<8200x512xi32, #tpu.memory_space<hbm>>
        %dma_start3A_599 = tpu.memref_slice %arg9[%rem3A_585] : memref<3x!tpu.dma_semaphore, #tpu.memory_space<semaphore_mem>> -> memref<1x!tpu.dma_semaphore, #tpu.memory_space<semaphore_mem>>
        %dma_start3A_600 = tpu.memref_squeeze %dma_start3A_599 : memref<1x!tpu.dma_semaphore, #tpu.memory_space<semaphore_mem>> -> memref<!tpu.dma_semaphore, #tpu.memory_space<semaphore_mem>>
        tpu.enqueue_indirect_dma source(%dma_start3A_598 : memref<8200x512xi32, #tpu.memory_space<hbm>>) target(%dma_start3A_593 : memref<8x512xi32, #tpu.memory_space<vmem>>) offsets(%dma_start3A_595 : memref<8xi32, #tpu.memory_space<vmem>>) semaphore(%dma_start3A_600 : memref<!tpu.dma_semaphore, #tpu.memory_space<semaphore_mem>>)
        %rem3A_601 = arith.constant 3 : i32
        %rem3A_602 = arith.remsi %add3A_549, %rem3A_601 : i32
        %mul3A_603 = arith.constant 8 : i32
        %mul3A_604 = arith.muli %add3A_549, %mul3A_603 : i32
        %dma_start3A_605 = arith.constant 3 : i32
        %dma_start3A_606 = arith.constant 3 : i32
        %dma_start3A_607 = arith.constant 0 : i32
        %dma_start3A_608 = arith.constant 0 : i32
        %dma_start3A_609 = tpu.memref_slice %arg6[%rem3A_602, %dma_start3A_606, %dma_start3A_607, %dma_start3A_608] : memref<3x7x8x512xi32, #tpu.memory_space<vmem>> -> memref<1x1x8x512xi32, #tpu.memory_space<vmem>>
        %dma_start3A_610 = tpu.memref_squeeze %dma_start3A_609 : memref<1x1x8x512xi32, #tpu.memory_space<vmem>> -> memref<8x512xi32, #tpu.memory_space<vmem>>
        %dma_start3A_611 = tpu.memref_slice %arg5[%dma_start3A_605, %mul3A_604] : memref<7x512xi32, #tpu.memory_space<vmem>> -> memref<1x8xi32, #tpu.memory_space<vmem>>
        %dma_start3A_612 = tpu.memref_squeeze %dma_start3A_611 : memref<1x8xi32, #tpu.memory_space<vmem>> -> memref<8xi32, #tpu.memory_space<vmem>>
        %dma_start3A_613 = arith.constant 0 : i32
        %dma_start3A_614 = arith.constant 0 : i32
        %dma_start3A_615 = tpu.memref_slice %arg2[%dma_start3A_613, %dma_start3A_614] : memref<8200x512xi32, #tpu.memory_space<hbm>> -> memref<8200x512xi32, #tpu.memory_space<hbm>>
        %dma_start3A_616 = tpu.memref_slice %arg9[%rem3A_602] : memref<3x!tpu.dma_semaphore, #tpu.memory_space<semaphore_mem>> -> memref<1x!tpu.dma_semaphore, #tpu.memory_space<semaphore_mem>>
        %dma_start3A_617 = tpu.memref_squeeze %dma_start3A_616 : memref<1x!tpu.dma_semaphore, #tpu.memory_space<semaphore_mem>> -> memref<!tpu.dma_semaphore, #tpu.memory_space<semaphore_mem>>
        tpu.enqueue_indirect_dma source(%dma_start3A_615 : memref<8200x512xi32, #tpu.memory_space<hbm>>) target(%dma_start3A_610 : memref<8x512xi32, #tpu.memory_space<vmem>>) offsets(%dma_start3A_612 : memref<8xi32, #tpu.memory_space<vmem>>) semaphore(%dma_start3A_617 : memref<!tpu.dma_semaphore, #tpu.memory_space<semaphore_mem>>)
        %rem3A_618 = arith.constant 3 : i32
        %rem3A_619 = arith.remsi %add3A_549, %rem3A_618 : i32
        %mul3A_620 = arith.constant 8 : i32
        %mul3A_621 = arith.muli %add3A_549, %mul3A_620 : i32
        %dma_start3A_622 = arith.constant 4 : i32
        %dma_start3A_623 = arith.constant 4 : i32
        %dma_start3A_624 = arith.constant 0 : i32
        %dma_start3A_625 = arith.constant 0 : i32
        %dma_start3A_626 = tpu.memref_slice %arg6[%rem3A_619, %dma_start3A_623, %dma_start3A_624, %dma_start3A_625] : memref<3x7x8x512xi32, #tpu.memory_space<vmem>> -> memref<1x1x8x512xi32, #tpu.memory_space<vmem>>
        %dma_start3A_627 = tpu.memref_squeeze %dma_start3A_626 : memref<1x1x8x512xi32, #tpu.memory_space<vmem>> -> memref<8x512xi32, #tpu.memory_space<vmem>>
        %dma_start3A_628 = tpu.memref_slice %arg5[%dma_start3A_622, %mul3A_621] : memref<7x512xi32, #tpu.memory_space<vmem>> -> memref<1x8xi32, #tpu.memory_space<vmem>>
        %dma_start3A_629 = tpu.memref_squeeze %dma_start3A_628 : memref<1x8xi32, #tpu.memory_space<vmem>> -> memref<8xi32, #tpu.memory_space<vmem>>
        %dma_start3A_630 = arith.constant 0 : i32
        %dma_start3A_631 = arith.constant 0 : i32
        %dma_start3A_632 = tpu.memref_slice %arg2[%dma_start3A_630, %dma_start3A_631] : memref<8200x512xi32, #tpu.memory_space<hbm>> -> memref<8200x512xi32, #tpu.memory_space<hbm>>
        %dma_start3A_633 = tpu.memref_slice %arg9[%rem3A_619] : memref<3x!tpu.dma_semaphore, #tpu.memory_space<semaphore_mem>> -> memref<1x!tpu.dma_semaphore, #tpu.memory_space<semaphore_mem>>
        %dma_start3A_634 = tpu.memref_squeeze %dma_start3A_633 : memref<1x!tpu.dma_semaphore, #tpu.memory_space<semaphore_mem>> -> memref<!tpu.dma_semaphore, #tpu.memory_space<semaphore_mem>>
        tpu.enqueue_indirect_dma source(%dma_start3A_632 : memref<8200x512xi32, #tpu.memory_space<hbm>>) target(%dma_start3A_627 : memref<8x512xi32, #tpu.memory_space<vmem>>) offsets(%dma_start3A_629 : memref<8xi32, #tpu.memory_space<vmem>>) semaphore(%dma_start3A_634 : memref<!tpu.dma_semaphore, #tpu.memory_space<semaphore_mem>>)
        %rem3A_635 = arith.constant 3 : i32
        %rem3A_636 = arith.remsi %add3A_549, %rem3A_635 : i32
        %mul3A_637 = arith.constant 8 : i32
        %mul3A_638 = arith.muli %add3A_549, %mul3A_637 : i32
        %dma_start3A_639 = arith.constant 5 : i32
        %dma_start3A_640 = arith.constant 5 : i32
        %dma_start3A_641 = arith.constant 0 : i32
        %dma_start3A_642 = arith.constant 0 : i32
        %dma_start3A_643 = tpu.memref_slice %arg6[%rem3A_636, %dma_start3A_640, %dma_start3A_641, %dma_start3A_642] : memref<3x7x8x512xi32, #tpu.memory_space<vmem>> -> memref<1x1x8x512xi32, #tpu.memory_space<vmem>>
        %dma_start3A_644 = tpu.memref_squeeze %dma_start3A_643 : memref<1x1x8x512xi32, #tpu.memory_space<vmem>> -> memref<8x512xi32, #tpu.memory_space<vmem>>
        %dma_start3A_645 = tpu.memref_slice %arg5[%dma_start3A_639, %mul3A_638] : memref<7x512xi32, #tpu.memory_space<vmem>> -> memref<1x8xi32, #tpu.memory_space<vmem>>
        %dma_start3A_646 = tpu.memref_squeeze %dma_start3A_645 : memref<1x8xi32, #tpu.memory_space<vmem>> -> memref<8xi32, #tpu.memory_space<vmem>>
        %dma_start3A_647 = arith.constant 0 : i32
        %dma_start3A_648 = arith.constant 0 : i32
        %dma_start3A_649 = tpu.memref_slice %arg2[%dma_start3A_647, %dma_start3A_648] : memref<8200x512xi32, #tpu.memory_space<hbm>> -> memref<8200x512xi32, #tpu.memory_space<hbm>>
        %dma_start3A_650 = tpu.memref_slice %arg9[%rem3A_636] : memref<3x!tpu.dma_semaphore, #tpu.memory_space<semaphore_mem>> -> memref<1x!tpu.dma_semaphore, #tpu.memory_space<semaphore_mem>>
        %dma_start3A_651 = tpu.memref_squeeze %dma_start3A_650 : memref<1x!tpu.dma_semaphore, #tpu.memory_space<semaphore_mem>> -> memref<!tpu.dma_semaphore, #tpu.memory_space<semaphore_mem>>
        tpu.enqueue_indirect_dma source(%dma_start3A_649 : memref<8200x512xi32, #tpu.memory_space<hbm>>) target(%dma_start3A_644 : memref<8x512xi32, #tpu.memory_space<vmem>>) offsets(%dma_start3A_646 : memref<8xi32, #tpu.memory_space<vmem>>) semaphore(%dma_start3A_651 : memref<!tpu.dma_semaphore, #tpu.memory_space<semaphore_mem>>)
        %rem3A_652 = arith.constant 3 : i32
        %rem3A_653 = arith.remsi %add3A_549, %rem3A_652 : i32
        %mul3A_654 = arith.constant 8 : i32
        %mul3A_655 = arith.muli %add3A_549, %mul3A_654 : i32
        %dma_start3A_656 = arith.constant 6 : i32
        %dma_start3A_657 = arith.constant 6 : i32
        %dma_start3A_658 = arith.constant 0 : i32
        %dma_start3A_659 = arith.constant 0 : i32
        %dma_start3A_660 = tpu.memref_slice %arg6[%rem3A_653, %dma_start3A_657, %dma_start3A_658, %dma_start3A_659] : memref<3x7x8x512xi32, #tpu.memory_space<vmem>> -> memref<1x1x8x512xi32, #tpu.memory_space<vmem>>
        %dma_start3A_661 = tpu.memref_squeeze %dma_start3A_660 : memref<1x1x8x512xi32, #tpu.memory_space<vmem>> -> memref<8x512xi32, #tpu.memory_space<vmem>>
        %dma_start3A_662 = tpu.memref_slice %arg5[%dma_start3A_656, %mul3A_655] : memref<7x512xi32, #tpu.memory_space<vmem>> -> memref<1x8xi32, #tpu.memory_space<vmem>>
        %dma_start3A_663 = tpu.memref_squeeze %dma_start3A_662 : memref<1x8xi32, #tpu.memory_space<vmem>> -> memref<8xi32, #tpu.memory_space<vmem>>
        %dma_start3A_664 = arith.constant 0 : i32
        %dma_start3A_665 = arith.constant 0 : i32
        %dma_start3A_666 = tpu.memref_slice %arg2[%dma_start3A_664, %dma_start3A_665] : memref<8200x512xi32, #tpu.memory_space<hbm>> -> memref<8200x512xi32, #tpu.memory_space<hbm>>
        %dma_start3A_667 = tpu.memref_slice %arg9[%rem3A_653] : memref<3x!tpu.dma_semaphore, #tpu.memory_space<semaphore_mem>> -> memref<1x!tpu.dma_semaphore, #tpu.memory_space<semaphore_mem>>
        %dma_start3A_668 = tpu.memref_squeeze %dma_start3A_667 : memref<1x!tpu.dma_semaphore, #tpu.memory_space<semaphore_mem>> -> memref<!tpu.dma_semaphore, #tpu.memory_space<semaphore_mem>>
        tpu.enqueue_indirect_dma source(%dma_start3A_666 : memref<8200x512xi32, #tpu.memory_space<hbm>>) target(%dma_start3A_661 : memref<8x512xi32, #tpu.memory_space<vmem>>) offsets(%dma_start3A_663 : memref<8xi32, #tpu.memory_space<vmem>>) semaphore(%dma_start3A_668 : memref<!tpu.dma_semaphore, #tpu.memory_space<semaphore_mem>>)
      } else {
      }
      %rem3A_266 = arith.constant 3 : i32
      %rem3A_267 = arith.remsi %add3A_261, %rem3A_266 : i32
      %mul3A_268 = arith.constant 8 : i32
      %mul3A_269 = arith.muli %add3A_261, %mul3A_268 : i32
      %dma_wait3A_270 = arith.constant 0 : i32
      %dma_wait3A_271 = arith.constant 0 : i32
      %dma_wait3A_272 = arith.constant 0 : i32
      %dma_wait3A_273 = arith.constant 0 : i32
      %dma_wait3A_274 = tpu.memref_slice %arg6[%rem3A_267, %dma_wait3A_271, %dma_wait3A_272, %dma_wait3A_273] : memref<3x7x8x512xi32, #tpu.memory_space<vmem>> -> memref<1x1x8x512xi32, #tpu.memory_space<vmem>>
      %dma_wait3A_275 = tpu.memref_squeeze %dma_wait3A_274 : memref<1x1x8x512xi32, #tpu.memory_space<vmem>> -> memref<8x512xi32, #tpu.memory_space<vmem>>
      %dma_wait3A_276 = tpu.memref_slice %arg5[%dma_wait3A_270, %mul3A_269] : memref<7x512xi32, #tpu.memory_space<vmem>> -> memref<1x8xi32, #tpu.memory_space<vmem>>
      %dma_wait3A_277 = tpu.memref_squeeze %dma_wait3A_276 : memref<1x8xi32, #tpu.memory_space<vmem>> -> memref<8xi32, #tpu.memory_space<vmem>>
      %dma_wait3A_278 = arith.constant 0 : i32
      %dma_wait3A_279 = arith.constant 0 : i32
      %dma_wait3A_280 = tpu.memref_slice %arg2[%dma_wait3A_278, %dma_wait3A_279] : memref<8200x512xi32, #tpu.memory_space<hbm>> -> memref<8200x512xi32, #tpu.memory_space<hbm>>
      %dma_wait3A_281 = tpu.memref_slice %arg9[%rem3A_267] : memref<3x!tpu.dma_semaphore, #tpu.memory_space<semaphore_mem>> -> memref<1x!tpu.dma_semaphore, #tpu.memory_space<semaphore_mem>>
      %dma_wait3A_282 = tpu.memref_squeeze %dma_wait3A_281 : memref<1x!tpu.dma_semaphore, #tpu.memory_space<semaphore_mem>> -> memref<!tpu.dma_semaphore, #tpu.memory_space<semaphore_mem>>
      tpu.wait_indirect_dma semaphore(%dma_wait3A_282 : memref<!tpu.dma_semaphore, #tpu.memory_space<semaphore_mem>>) src(%dma_wait3A_280 : memref<8200x512xi32, #tpu.memory_space<hbm>>) dst(%dma_wait3A_275 : memref<8x512xi32, #tpu.memory_space<vmem>>)
      %rem3A_283 = arith.constant 3 : i32
      %rem3A_284 = arith.remsi %add3A_261, %rem3A_283 : i32
      %mul3A_285 = arith.constant 8 : i32
      %mul3A_286 = arith.muli %add3A_261, %mul3A_285 : i32
      %dma_wait3A_287 = arith.constant 1 : i32
      %dma_wait3A_288 = arith.constant 1 : i32
      %dma_wait3A_289 = arith.constant 0 : i32
      %dma_wait3A_290 = arith.constant 0 : i32
      %dma_wait3A_291 = tpu.memref_slice %arg6[%rem3A_284, %dma_wait3A_288, %dma_wait3A_289, %dma_wait3A_290] : memref<3x7x8x512xi32, #tpu.memory_space<vmem>> -> memref<1x1x8x512xi32, #tpu.memory_space<vmem>>
      %dma_wait3A_292 = tpu.memref_squeeze %dma_wait3A_291 : memref<1x1x8x512xi32, #tpu.memory_space<vmem>> -> memref<8x512xi32, #tpu.memory_space<vmem>>
      %dma_wait3A_293 = tpu.memref_slice %arg5[%dma_wait3A_287, %mul3A_286] : memref<7x512xi32, #tpu.memory_space<vmem>> -> memref<1x8xi32, #tpu.memory_space<vmem>>
      %dma_wait3A_294 = tpu.memref_squeeze %dma_wait3A_293 : memref<1x8xi32, #tpu.memory_space<vmem>> -> memref<8xi32, #tpu.memory_space<vmem>>
      %dma_wait3A_295 = arith.constant 0 : i32
      %dma_wait3A_296 = arith.constant 0 : i32
      %dma_wait3A_297 = tpu.memref_slice %arg2[%dma_wait3A_295, %dma_wait3A_296] : memref<8200x512xi32, #tpu.memory_space<hbm>> -> memref<8200x512xi32, #tpu.memory_space<hbm>>
      %dma_wait3A_298 = tpu.memref_slice %arg9[%rem3A_284] : memref<3x!tpu.dma_semaphore, #tpu.memory_space<semaphore_mem>> -> memref<1x!tpu.dma_semaphore, #tpu.memory_space<semaphore_mem>>
      %dma_wait3A_299 = tpu.memref_squeeze %dma_wait3A_298 : memref<1x!tpu.dma_semaphore, #tpu.memory_space<semaphore_mem>> -> memref<!tpu.dma_semaphore, #tpu.memory_space<semaphore_mem>>
      tpu.wait_indirect_dma semaphore(%dma_wait3A_299 : memref<!tpu.dma_semaphore, #tpu.memory_space<semaphore_mem>>) src(%dma_wait3A_297 : memref<8200x512xi32, #tpu.memory_space<hbm>>) dst(%dma_wait3A_292 : memref<8x512xi32, #tpu.memory_space<vmem>>)
      %rem3A_300 = arith.constant 3 : i32
      %rem3A_301 = arith.remsi %add3A_261, %rem3A_300 : i32
      %mul3A_302 = arith.constant 8 : i32
      %mul3A_303 = arith.muli %add3A_261, %mul3A_302 : i32
      %dma_wait3A_304 = arith.constant 2 : i32
      %dma_wait3A_305 = arith.constant 2 : i32
      %dma_wait3A_306 = arith.constant 0 : i32
      %dma_wait3A_307 = arith.constant 0 : i32
      %dma_wait3A_308 = tpu.memref_slice %arg6[%rem3A_301, %dma_wait3A_305, %dma_wait3A_306, %dma_wait3A_307] : memref<3x7x8x512xi32, #tpu.memory_space<vmem>> -> memref<1x1x8x512xi32, #tpu.memory_space<vmem>>
      %dma_wait3A_309 = tpu.memref_squeeze %dma_wait3A_308 : memref<1x1x8x512xi32, #tpu.memory_space<vmem>> -> memref<8x512xi32, #tpu.memory_space<vmem>>
      %dma_wait3A_310 = tpu.memref_slice %arg5[%dma_wait3A_304, %mul3A_303] : memref<7x512xi32, #tpu.memory_space<vmem>> -> memref<1x8xi32, #tpu.memory_space<vmem>>
      %dma_wait3A_311 = tpu.memref_squeeze %dma_wait3A_310 : memref<1x8xi32, #tpu.memory_space<vmem>> -> memref<8xi32, #tpu.memory_space<vmem>>
      %dma_wait3A_312 = arith.constant 0 : i32
      %dma_wait3A_313 = arith.constant 0 : i32
      %dma_wait3A_314 = tpu.memref_slice %arg2[%dma_wait3A_312, %dma_wait3A_313] : memref<8200x512xi32, #tpu.memory_space<hbm>> -> memref<8200x512xi32, #tpu.memory_space<hbm>>
      %dma_wait3A_315 = tpu.memref_slice %arg9[%rem3A_301] : memref<3x!tpu.dma_semaphore, #tpu.memory_space<semaphore_mem>> -> memref<1x!tpu.dma_semaphore, #tpu.memory_space<semaphore_mem>>
      %dma_wait3A_316 = tpu.memref_squeeze %dma_wait3A_315 : memref<1x!tpu.dma_semaphore, #tpu.memory_space<semaphore_mem>> -> memref<!tpu.dma_semaphore, #tpu.memory_space<semaphore_mem>>
      tpu.wait_indirect_dma semaphore(%dma_wait3A_316 : memref<!tpu.dma_semaphore, #tpu.memory_space<semaphore_mem>>) src(%dma_wait3A_314 : memref<8200x512xi32, #tpu.memory_space<hbm>>) dst(%dma_wait3A_309 : memref<8x512xi32, #tpu.memory_space<vmem>>)
      %rem3A_317 = arith.constant 3 : i32
      %rem3A_318 = arith.remsi %add3A_261, %rem3A_317 : i32
      %mul3A_319 = arith.constant 8 : i32
      %mul3A_320 = arith.muli %add3A_261, %mul3A_319 : i32
      %dma_wait3A_321 = arith.constant 3 : i32
      %dma_wait3A_322 = arith.constant 3 : i32
      %dma_wait3A_323 = arith.constant 0 : i32
      %dma_wait3A_324 = arith.constant 0 : i32
      %dma_wait3A_325 = tpu.memref_slice %arg6[%rem3A_318, %dma_wait3A_322, %dma_wait3A_323, %dma_wait3A_324] : memref<3x7x8x512xi32, #tpu.memory_space<vmem>> -> memref<1x1x8x512xi32, #tpu.memory_space<vmem>>
      %dma_wait3A_326 = tpu.memref_squeeze %dma_wait3A_325 : memref<1x1x8x512xi32, #tpu.memory_space<vmem>> -> memref<8x512xi32, #tpu.memory_space<vmem>>
      %dma_wait3A_327 = tpu.memref_slice %arg5[%dma_wait3A_321, %mul3A_320] : memref<7x512xi32, #tpu.memory_space<vmem>> -> memref<1x8xi32, #tpu.memory_space<vmem>>
      %dma_wait3A_328 = tpu.memref_squeeze %dma_wait3A_327 : memref<1x8xi32, #tpu.memory_space<vmem>> -> memref<8xi32, #tpu.memory_space<vmem>>
      %dma_wait3A_329 = arith.constant 0 : i32
      %dma_wait3A_330 = arith.constant 0 : i32
      %dma_wait3A_331 = tpu.memref_slice %arg2[%dma_wait3A_329, %dma_wait3A_330] : memref<8200x512xi32, #tpu.memory_space<hbm>> -> memref<8200x512xi32, #tpu.memory_space<hbm>>
      %dma_wait3A_332 = tpu.memref_slice %arg9[%rem3A_318] : memref<3x!tpu.dma_semaphore, #tpu.memory_space<semaphore_mem>> -> memref<1x!tpu.dma_semaphore, #tpu.memory_space<semaphore_mem>>
      %dma_wait3A_333 = tpu.memref_squeeze %dma_wait3A_332 : memref<1x!tpu.dma_semaphore, #tpu.memory_space<semaphore_mem>> -> memref<!tpu.dma_semaphore, #tpu.memory_space<semaphore_mem>>
      tpu.wait_indirect_dma semaphore(%dma_wait3A_333 : memref<!tpu.dma_semaphore, #tpu.memory_space<semaphore_mem>>) src(%dma_wait3A_331 : memref<8200x512xi32, #tpu.memory_space<hbm>>) dst(%dma_wait3A_326 : memref<8x512xi32, #tpu.memory_space<vmem>>)
      %rem3A_334 = arith.constant 3 : i32
      %rem3A_335 = arith.remsi %add3A_261, %rem3A_334 : i32
      %mul3A_336 = arith.constant 8 : i32
      %mul3A_337 = arith.muli %add3A_261, %mul3A_336 : i32
      %dma_wait3A_338 = arith.constant 4 : i32
      %dma_wait3A_339 = arith.constant 4 : i32
      %dma_wait3A_340 = arith.constant 0 : i32
      %dma_wait3A_341 = arith.constant 0 : i32
      %dma_wait3A_342 = tpu.memref_slice %arg6[%rem3A_335, %dma_wait3A_339, %dma_wait3A_340, %dma_wait3A_341] : memref<3x7x8x512xi32, #tpu.memory_space<vmem>> -> memref<1x1x8x512xi32, #tpu.memory_space<vmem>>
      %dma_wait3A_343 = tpu.memref_squeeze %dma_wait3A_342 : memref<1x1x8x512xi32, #tpu.memory_space<vmem>> -> memref<8x512xi32, #tpu.memory_space<vmem>>
      %dma_wait3A_344 = tpu.memref_slice %arg5[%dma_wait3A_338, %mul3A_337] : memref<7x512xi32, #tpu.memory_space<vmem>> -> memref<1x8xi32, #tpu.memory_space<vmem>>
      %dma_wait3A_345 = tpu.memref_squeeze %dma_wait3A_344 : memref<1x8xi32, #tpu.memory_space<vmem>> -> memref<8xi32, #tpu.memory_space<vmem>>
      %dma_wait3A_346 = arith.constant 0 : i32
      %dma_wait3A_347 = arith.constant 0 : i32
      %dma_wait3A_348 = tpu.memref_slice %arg2[%dma_wait3A_346, %dma_wait3A_347] : memref<8200x512xi32, #tpu.memory_space<hbm>> -> memref<8200x512xi32, #tpu.memory_space<hbm>>
      %dma_wait3A_349 = tpu.memref_slice %arg9[%rem3A_335] : memref<3x!tpu.dma_semaphore, #tpu.memory_space<semaphore_mem>> -> memref<1x!tpu.dma_semaphore, #tpu.memory_space<semaphore_mem>>
      %dma_wait3A_350 = tpu.memref_squeeze %dma_wait3A_349 : memref<1x!tpu.dma_semaphore, #tpu.memory_space<semaphore_mem>> -> memref<!tpu.dma_semaphore, #tpu.memory_space<semaphore_mem>>
      tpu.wait_indirect_dma semaphore(%dma_wait3A_350 : memref<!tpu.dma_semaphore, #tpu.memory_space<semaphore_mem>>) src(%dma_wait3A_348 : memref<8200x512xi32, #tpu.memory_space<hbm>>) dst(%dma_wait3A_343 : memref<8x512xi32, #tpu.memory_space<vmem>>)
      %rem3A_351 = arith.constant 3 : i32
      %rem3A_352 = arith.remsi %add3A_261, %rem3A_351 : i32
      %mul3A_353 = arith.constant 8 : i32
      %mul3A_354 = arith.muli %add3A_261, %mul3A_353 : i32
      %dma_wait3A_355 = arith.constant 5 : i32
      %dma_wait3A_356 = arith.constant 5 : i32
      %dma_wait3A_357 = arith.constant 0 : i32
      %dma_wait3A_358 = arith.constant 0 : i32
      %dma_wait3A_359 = tpu.memref_slice %arg6[%rem3A_352, %dma_wait3A_356, %dma_wait3A_357, %dma_wait3A_358] : memref<3x7x8x512xi32, #tpu.memory_space<vmem>> -> memref<1x1x8x512xi32, #tpu.memory_space<vmem>>
      %dma_wait3A_360 = tpu.memref_squeeze %dma_wait3A_359 : memref<1x1x8x512xi32, #tpu.memory_space<vmem>> -> memref<8x512xi32, #tpu.memory_space<vmem>>
      %dma_wait3A_361 = tpu.memref_slice %arg5[%dma_wait3A_355, %mul3A_354] : memref<7x512xi32, #tpu.memory_space<vmem>> -> memref<1x8xi32, #tpu.memory_space<vmem>>
      %dma_wait3A_362 = tpu.memref_squeeze %dma_wait3A_361 : memref<1x8xi32, #tpu.memory_space<vmem>> -> memref<8xi32, #tpu.memory_space<vmem>>
      %dma_wait3A_363 = arith.constant 0 : i32
      %dma_wait3A_364 = arith.constant 0 : i32
      %dma_wait3A_365 = tpu.memref_slice %arg2[%dma_wait3A_363, %dma_wait3A_364] : memref<8200x512xi32, #tpu.memory_space<hbm>> -> memref<8200x512xi32, #tpu.memory_space<hbm>>
      %dma_wait3A_366 = tpu.memref_slice %arg9[%rem3A_352] : memref<3x!tpu.dma_semaphore, #tpu.memory_space<semaphore_mem>> -> memref<1x!tpu.dma_semaphore, #tpu.memory_space<semaphore_mem>>
      %dma_wait3A_367 = tpu.memref_squeeze %dma_wait3A_366 : memref<1x!tpu.dma_semaphore, #tpu.memory_space<semaphore_mem>> -> memref<!tpu.dma_semaphore, #tpu.memory_space<semaphore_mem>>
      tpu.wait_indirect_dma semaphore(%dma_wait3A_367 : memref<!tpu.dma_semaphore, #tpu.memory_space<semaphore_mem>>) src(%dma_wait3A_365 : memref<8200x512xi32, #tpu.memory_space<hbm>>) dst(%dma_wait3A_360 : memref<8x512xi32, #tpu.memory_space<vmem>>)
      %rem3A_368 = arith.constant 3 : i32
      %rem3A_369 = arith.remsi %add3A_261, %rem3A_368 : i32
      %mul3A_370 = arith.constant 8 : i32
      %mul3A_371 = arith.muli %add3A_261, %mul3A_370 : i32
      %dma_wait3A_372 = arith.constant 6 : i32
      %dma_wait3A_373 = arith.constant 6 : i32
      %dma_wait3A_374 = arith.constant 0 : i32
      %dma_wait3A_375 = arith.constant 0 : i32
      %dma_wait3A_376 = tpu.memref_slice %arg6[%rem3A_369, %dma_wait3A_373, %dma_wait3A_374, %dma_wait3A_375] : memref<3x7x8x512xi32, #tpu.memory_space<vmem>> -> memref<1x1x8x512xi32, #tpu.memory_space<vmem>>
      %dma_wait3A_377 = tpu.memref_squeeze %dma_wait3A_376 : memref<1x1x8x512xi32, #tpu.memory_space<vmem>> -> memref<8x512xi32, #tpu.memory_space<vmem>>
      %dma_wait3A_378 = tpu.memref_slice %arg5[%dma_wait3A_372, %mul3A_371] : memref<7x512xi32, #tpu.memory_space<vmem>> -> memref<1x8xi32, #tpu.memory_space<vmem>>
      %dma_wait3A_379 = tpu.memref_squeeze %dma_wait3A_378 : memref<1x8xi32, #tpu.memory_space<vmem>> -> memref<8xi32, #tpu.memory_space<vmem>>
      %dma_wait3A_380 = arith.constant 0 : i32
      %dma_wait3A_381 = arith.constant 0 : i32
      %dma_wait3A_382 = tpu.memref_slice %arg2[%dma_wait3A_380, %dma_wait3A_381] : memref<8200x512xi32, #tpu.memory_space<hbm>> -> memref<8200x512xi32, #tpu.memory_space<hbm>>
      %dma_wait3A_383 = tpu.memref_slice %arg9[%rem3A_369] : memref<3x!tpu.dma_semaphore, #tpu.memory_space<semaphore_mem>> -> memref<1x!tpu.dma_semaphore, #tpu.memory_space<semaphore_mem>>
      %dma_wait3A_384 = tpu.memref_squeeze %dma_wait3A_383 : memref<1x!tpu.dma_semaphore, #tpu.memory_space<semaphore_mem>> -> memref<!tpu.dma_semaphore, #tpu.memory_space<semaphore_mem>>
      tpu.wait_indirect_dma semaphore(%dma_wait3A_384 : memref<!tpu.dma_semaphore, #tpu.memory_space<semaphore_mem>>) src(%dma_wait3A_382 : memref<8200x512xi32, #tpu.memory_space<hbm>>) dst(%dma_wait3A_377 : memref<8x512xi32, #tpu.memory_space<vmem>>)
      %ge3A = arith.constant 1 : i32
      %ge3A_385 = arith.cmpi sge, %scan3A_256, %ge3A : i32
      %convert_element_type3A_386 = arith.extui %ge3A_385 : i1 to i32
      %cond3A_387 = arith.constant 0 : i32
      %cond3A_388 = arith.cmpi ne, %convert_element_type3A_386, %cond3A_387 : i32
      scf.if %cond3A_388 {
        %mul3A_548 = arith.constant 8 : i32
        %mul3A_549 = arith.muli %add3A_261, %mul3A_548 : i32
        %add3A_550 = arith.addi %mul3A_2, %mul3A_549 : i32
        %dma_wait3A_551 = arith.constant 0 : i32
        %dma_wait3A_552 = tpu.memref_slice %arg4[%add3A_550, %dma_wait3A_551] : memref<16384x1024xf32, #tpu.memory_space<hbm>> -> memref<8x1024xf32, #tpu.memory_space<hbm>>
        %dma_wait3A_553 = arith.constant 0 : i32
        %dma_wait3A_554 = tpu.memref_slice %arg4[%add3A_550, %dma_wait3A_553] : memref<16384x1024xf32, #tpu.memory_space<hbm>> -> memref<8x1024xf32, #tpu.memory_space<hbm>>
        tpu.wait_dma2 semaphore(%arg10 : memref<!tpu.dma_semaphore, #tpu.memory_space<semaphore_mem>>) src(%arg7 : memref<8x1024xf32, #tpu.memory_space<vmem>>) dst(%dma_wait3A_554 : memref<8x1024xf32, #tpu.memory_space<hbm>>)
      } else {
      }
      %rem3A_389 = arith.constant 3 : i32
      %rem3A_390 = arith.remsi %add3A_261, %rem3A_389 : i32
      %parallel_loop3A = arith.constant 0 : i32
      %parallel_loop3A_391 = arith.constant 256 : i32
      %parallel_loop3A_392 = arith.constant 1 : i32
      %parallel_loop3A_393 = arith.constant -65536 : i32
      scf.for %parallel_loop3A_548 = %parallel_loop3A to %parallel_loop3A_391 step %parallel_loop3A_392  : i32 {
        %parallel_loop3A_549 = arith.constant 5 : i32
        %parallel_loop3A_550 = arith.shrui %parallel_loop3A_548, %parallel_loop3A_549 : i32
        %parallel_loop3A_551 = arith.constant 31 : i32
        %parallel_loop3A_552 = arith.andi %parallel_loop3A_548, %parallel_loop3A_551 : i32
        %parallel_loop3A_553 = arith.constant 4 : i32
        %parallel_loop3A_554 = arith.shli %parallel_loop3A_552, %parallel_loop3A_553 : i32
        %parallel_loop3A_555 = tpu.assume_multiple %parallel_loop3A_554, 16 : i32
        %parallel_loop3A_556 = arith.constant 0 : i32
        %parallel_loop3A_557 = arith.index_cast %rem3A_390 : i32 to index
        %parallel_loop3A_558 = arith.index_cast %parallel_loop3A_556 : i32 to index
        %parallel_loop3A_559 = arith.index_cast %parallel_loop3A_550 : i32 to index
        %parallel_loop3A_560 = arith.index_cast %parallel_loop3A_555 : i32 to index
        %parallel_loop3A_561 = tpu.vector_load %arg6[%parallel_loop3A_557, %parallel_loop3A_558, %parallel_loop3A_559, %parallel_loop3A_560] {strides = array<i32>} : memref<3x7x8x512xi32, #tpu.memory_space<vmem>>, vector<1x1x1x16xi32>,
        %parallel_loop3A_562 = vector.shape_cast %parallel_loop3A_561 : vector<1x1x1x16xi32> to vector<16xi32>
        %parallel_loop3A_563 = arith.constant 16 : i32
        %parallel_loop3A_564 = vector.broadcast %parallel_loop3A_563 : i32 to vector<16xi32>
        %parallel_loop3A_565 = arith.shli %parallel_loop3A_562, %parallel_loop3A_564 : vector<16xi32>
        %parallel_loop3A_566 = tpu.bitcast %parallel_loop3A_565 : vector<16xi32> -> vector<16xf32>
        %parallel_loop3A_567 = vector.broadcast %parallel_loop3A_393 : i32 to vector<16xi32>
        %parallel_loop3A_568 = arith.andi %parallel_loop3A_562, %parallel_loop3A_567 : vector<16xi32>
        %parallel_loop3A_569 = tpu.bitcast %parallel_loop3A_568 : vector<16xi32> -> vector<16xf32>
        %parallel_loop3A_570 = arith.constant 1 : i32
        %parallel_loop3A_571 = arith.index_cast %rem3A_390 : i32 to index
        %parallel_loop3A_572 = arith.index_cast %parallel_loop3A_570 : i32 to index
        %parallel_loop3A_573 = arith.index_cast %parallel_loop3A_550 : i32 to index
        %parallel_loop3A_574 = arith.index_cast %parallel_loop3A_555 : i32 to index
        %parallel_loop3A_575 = tpu.vector_load %arg6[%parallel_loop3A_571, %parallel_loop3A_572, %parallel_loop3A_573, %parallel_loop3A_574] {strides = array<i32>} : memref<3x7x8x512xi32, #tpu.memory_space<vmem>>, vector<1x1x1x16xi32>,
        %parallel_loop3A_576 = vector.shape_cast %parallel_loop3A_575 : vector<1x1x1x16xi32> to vector<16xi32>
        %parallel_loop3A_577 = arith.constant 16 : i32
        %parallel_loop3A_578 = vector.broadcast %parallel_loop3A_577 : i32 to vector<16xi32>
        %parallel_loop3A_579 = arith.shli %parallel_loop3A_576, %parallel_loop3A_578 : vector<16xi32>
        %parallel_loop3A_580 = tpu.bitcast %parallel_loop3A_579 : vector<16xi32> -> vector<16xf32>
        %parallel_loop3A_581 = vector.broadcast %parallel_loop3A_393 : i32 to vector<16xi32>
        %parallel_loop3A_582 = arith.andi %parallel_loop3A_576, %parallel_loop3A_581 : vector<16xi32>
        %parallel_loop3A_583 = tpu.bitcast %parallel_loop3A_582 : vector<16xi32> -> vector<16xf32>
        %parallel_loop3A_584 = arith.addf %parallel_loop3A_566, %parallel_loop3A_580 : vector<16xf32>
        %parallel_loop3A_585 = arith.addf %parallel_loop3A_569, %parallel_loop3A_583 : vector<16xf32>
        %parallel_loop3A_586 = arith.constant 2 : i32
        %parallel_loop3A_587 = arith.index_cast %rem3A_390 : i32 to index
        %parallel_loop3A_588 = arith.index_cast %parallel_loop3A_586 : i32 to index
        %parallel_loop3A_589 = arith.index_cast %parallel_loop3A_550 : i32 to index
        %parallel_loop3A_590 = arith.index_cast %parallel_loop3A_555 : i32 to index
        %parallel_loop3A_591 = tpu.vector_load %arg6[%parallel_loop3A_587, %parallel_loop3A_588, %parallel_loop3A_589, %parallel_loop3A_590] {strides = array<i32>} : memref<3x7x8x512xi32, #tpu.memory_space<vmem>>, vector<1x1x1x16xi32>,
        %parallel_loop3A_592 = vector.shape_cast %parallel_loop3A_591 : vector<1x1x1x16xi32> to vector<16xi32>
        %parallel_loop3A_593 = arith.constant 16 : i32
        %parallel_loop3A_594 = vector.broadcast %parallel_loop3A_593 : i32 to vector<16xi32>
        %parallel_loop3A_595 = arith.shli %parallel_loop3A_592, %parallel_loop3A_594 : vector<16xi32>
        %parallel_loop3A_596 = tpu.bitcast %parallel_loop3A_595 : vector<16xi32> -> vector<16xf32>
        %parallel_loop3A_597 = vector.broadcast %parallel_loop3A_393 : i32 to vector<16xi32>
        %parallel_loop3A_598 = arith.andi %parallel_loop3A_592, %parallel_loop3A_597 : vector<16xi32>
        %parallel_loop3A_599 = tpu.bitcast %parallel_loop3A_598 : vector<16xi32> -> vector<16xf32>
        %parallel_loop3A_600 = arith.addf %parallel_loop3A_584, %parallel_loop3A_596 : vector<16xf32>
        %parallel_loop3A_601 = arith.addf %parallel_loop3A_585, %parallel_loop3A_599 : vector<16xf32>
        %parallel_loop3A_602 = arith.constant 3 : i32
        %parallel_loop3A_603 = arith.index_cast %rem3A_390 : i32 to index
        %parallel_loop3A_604 = arith.index_cast %parallel_loop3A_602 : i32 to index
        %parallel_loop3A_605 = arith.index_cast %parallel_loop3A_550 : i32 to index
        %parallel_loop3A_606 = arith.index_cast %parallel_loop3A_555 : i32 to index
        %parallel_loop3A_607 = tpu.vector_load %arg6[%parallel_loop3A_603, %parallel_loop3A_604, %parallel_loop3A_605, %parallel_loop3A_606] {strides = array<i32>} : memref<3x7x8x512xi32, #tpu.memory_space<vmem>>, vector<1x1x1x16xi32>,
        %parallel_loop3A_608 = vector.shape_cast %parallel_loop3A_607 : vector<1x1x1x16xi32> to vector<16xi32>
        %parallel_loop3A_609 = arith.constant 16 : i32
        %parallel_loop3A_610 = vector.broadcast %parallel_loop3A_609 : i32 to vector<16xi32>
        %parallel_loop3A_611 = arith.shli %parallel_loop3A_608, %parallel_loop3A_610 : vector<16xi32>
        %parallel_loop3A_612 = tpu.bitcast %parallel_loop3A_611 : vector<16xi32> -> vector<16xf32>
        %parallel_loop3A_613 = vector.broadcast %parallel_loop3A_393 : i32 to vector<16xi32>
        %parallel_loop3A_614 = arith.andi %parallel_loop3A_608, %parallel_loop3A_613 : vector<16xi32>
        %parallel_loop3A_615 = tpu.bitcast %parallel_loop3A_614 : vector<16xi32> -> vector<16xf32>
        %parallel_loop3A_616 = arith.addf %parallel_loop3A_600, %parallel_loop3A_612 : vector<16xf32>
        %parallel_loop3A_617 = arith.addf %parallel_loop3A_601, %parallel_loop3A_615 : vector<16xf32>
        %parallel_loop3A_618 = arith.constant 4 : i32
        %parallel_loop3A_619 = arith.index_cast %rem3A_390 : i32 to index
        %parallel_loop3A_620 = arith.index_cast %parallel_loop3A_618 : i32 to index
        %parallel_loop3A_621 = arith.index_cast %parallel_loop3A_550 : i32 to index
        %parallel_loop3A_622 = arith.index_cast %parallel_loop3A_555 : i32 to index
        %parallel_loop3A_623 = tpu.vector_load %arg6[%parallel_loop3A_619, %parallel_loop3A_620, %parallel_loop3A_621, %parallel_loop3A_622] {strides = array<i32>} : memref<3x7x8x512xi32, #tpu.memory_space<vmem>>, vector<1x1x1x16xi32>,
        %parallel_loop3A_624 = vector.shape_cast %parallel_loop3A_623 : vector<1x1x1x16xi32> to vector<16xi32>
        %parallel_loop3A_625 = arith.constant 16 : i32
        %parallel_loop3A_626 = vector.broadcast %parallel_loop3A_625 : i32 to vector<16xi32>
        %parallel_loop3A_627 = arith.shli %parallel_loop3A_624, %parallel_loop3A_626 : vector<16xi32>
        %parallel_loop3A_628 = tpu.bitcast %parallel_loop3A_627 : vector<16xi32> -> vector<16xf32>
        %parallel_loop3A_629 = vector.broadcast %parallel_loop3A_393 : i32 to vector<16xi32>
        %parallel_loop3A_630 = arith.andi %parallel_loop3A_624, %parallel_loop3A_629 : vector<16xi32>
        %parallel_loop3A_631 = tpu.bitcast %parallel_loop3A_630 : vector<16xi32> -> vector<16xf32>
        %parallel_loop3A_632 = arith.addf %parallel_loop3A_616, %parallel_loop3A_628 : vector<16xf32>
        %parallel_loop3A_633 = arith.addf %parallel_loop3A_617, %parallel_loop3A_631 : vector<16xf32>
        %parallel_loop3A_634 = arith.constant 5 : i32
        %parallel_loop3A_635 = arith.index_cast %rem3A_390 : i32 to index
        %parallel_loop3A_636 = arith.index_cast %parallel_loop3A_634 : i32 to index
        %parallel_loop3A_637 = arith.index_cast %parallel_loop3A_550 : i32 to index
        %parallel_loop3A_638 = arith.index_cast %parallel_loop3A_555 : i32 to index
        %parallel_loop3A_639 = tpu.vector_load %arg6[%parallel_loop3A_635, %parallel_loop3A_636, %parallel_loop3A_637, %parallel_loop3A_638] {strides = array<i32>} : memref<3x7x8x512xi32, #tpu.memory_space<vmem>>, vector<1x1x1x16xi32>,
        %parallel_loop3A_640 = vector.shape_cast %parallel_loop3A_639 : vector<1x1x1x16xi32> to vector<16xi32>
        %parallel_loop3A_641 = arith.constant 16 : i32
        %parallel_loop3A_642 = vector.broadcast %parallel_loop3A_641 : i32 to vector<16xi32>
        %parallel_loop3A_643 = arith.shli %parallel_loop3A_640, %parallel_loop3A_642 : vector<16xi32>
        %parallel_loop3A_644 = tpu.bitcast %parallel_loop3A_643 : vector<16xi32> -> vector<16xf32>
        %parallel_loop3A_645 = vector.broadcast %parallel_loop3A_393 : i32 to vector<16xi32>
        %parallel_loop3A_646 = arith.andi %parallel_loop3A_640, %parallel_loop3A_645 : vector<16xi32>
        %parallel_loop3A_647 = tpu.bitcast %parallel_loop3A_646 : vector<16xi32> -> vector<16xf32>
        %parallel_loop3A_648 = arith.addf %parallel_loop3A_632, %parallel_loop3A_644 : vector<16xf32>
        %parallel_loop3A_649 = arith.addf %parallel_loop3A_633, %parallel_loop3A_647 : vector<16xf32>
        %parallel_loop3A_650 = arith.constant 6 : i32
        %parallel_loop3A_651 = arith.index_cast %rem3A_390 : i32 to index
        %parallel_loop3A_652 = arith.index_cast %parallel_loop3A_650 : i32 to index
        %parallel_loop3A_653 = arith.index_cast %parallel_loop3A_550 : i32 to index
        %parallel_loop3A_654 = arith.index_cast %parallel_loop3A_555 : i32 to index
        %parallel_loop3A_655 = tpu.vector_load %arg6[%parallel_loop3A_651, %parallel_loop3A_652, %parallel_loop3A_653, %parallel_loop3A_654] {strides = array<i32>} : memref<3x7x8x512xi32, #tpu.memory_space<vmem>>, vector<1x1x1x16xi32>,
        %parallel_loop3A_656 = vector.shape_cast %parallel_loop3A_655 : vector<1x1x1x16xi32> to vector<16xi32>
        %parallel_loop3A_657 = arith.constant 16 : i32
        %parallel_loop3A_658 = vector.broadcast %parallel_loop3A_657 : i32 to vector<16xi32>
        %parallel_loop3A_659 = arith.shli %parallel_loop3A_656, %parallel_loop3A_658 : vector<16xi32>
        %parallel_loop3A_660 = tpu.bitcast %parallel_loop3A_659 : vector<16xi32> -> vector<16xf32>
        %parallel_loop3A_661 = vector.broadcast %parallel_loop3A_393 : i32 to vector<16xi32>
        %parallel_loop3A_662 = arith.andi %parallel_loop3A_656, %parallel_loop3A_661 : vector<16xi32>
        %parallel_loop3A_663 = tpu.bitcast %parallel_loop3A_662 : vector<16xi32> -> vector<16xf32>
        %parallel_loop3A_664 = arith.addf %parallel_loop3A_648, %parallel_loop3A_660 : vector<16xf32>
        %parallel_loop3A_665 = arith.addf %parallel_loop3A_649, %parallel_loop3A_663 : vector<16xf32>
        %parallel_loop3A_666 = arith.index_cast %parallel_loop3A_550 : i32 to index
        %parallel_loop3A_667 = arith.index_cast %parallel_loop3A_555 : i32 to index
        %parallel_loop3A_668 = tpu.vector_load %arg7[%parallel_loop3A_666, %parallel_loop3A_667] {strides = array<i32>} : memref<8x1024xf32, #tpu.memory_space<vmem>>, vector<1x16xf32>,
        %parallel_loop3A_669 = vector.shape_cast %parallel_loop3A_668 : vector<1x16xf32> to vector<16xf32>
        %parallel_loop3A_670 = vector.shape_cast %parallel_loop3A_664 : vector<16xf32> to vector<1x16xf32>
        tpu.vector_store %arg7[%parallel_loop3A_666, %parallel_loop3A_667], %parallel_loop3A_670 {strides = array<i32>} : memref<8x1024xf32, #tpu.memory_space<vmem>>, vector<1x16xf32>,
        %parallel_loop3A_671 = arith.constant 512 : i32
        %parallel_loop3A_672 = arith.addi %parallel_loop3A_555, %parallel_loop3A_671 : i32
        %parallel_loop3A_673 = arith.index_cast %parallel_loop3A_550 : i32 to index
        %parallel_loop3A_674 = arith.index_cast %parallel_loop3A_672 : i32 to index
        %parallel_loop3A_675 = tpu.vector_load %arg7[%parallel_loop3A_673, %parallel_loop3A_674] {strides = array<i32>} : memref<8x1024xf32, #tpu.memory_space<vmem>>, vector<1x16xf32>,
        %parallel_loop3A_676 = vector.shape_cast %parallel_loop3A_675 : vector<1x16xf32> to vector<16xf32>
        %parallel_loop3A_677 = vector.shape_cast %parallel_loop3A_665 : vector<16xf32> to vector<1x16xf32>
        tpu.vector_store %arg7[%parallel_loop3A_673, %parallel_loop3A_674], %parallel_loop3A_677 {strides = array<i32>} : memref<8x1024xf32, #tpu.memory_space<vmem>>, vector<1x16xf32>,
      } {sc.loop_unroll_factor = 4 : i64, sc.parallel_access}
      %mul3A_394 = arith.constant 8 : i32
      %mul3A_395 = arith.muli %add3A_261, %mul3A_394 : i32
      %add3A_396 = arith.addi %mul3A_2, %mul3A_395 : i32
      %dma_start3A_397 = arith.constant 0 : i32
      %dma_start3A_398 = tpu.memref_slice %arg4[%add3A_396, %dma_start3A_397] : memref<16384x1024xf32, #tpu.memory_space<hbm>> -> memref<8x1024xf32, #tpu.memory_space<hbm>>
      %dma_start3A_399 = arith.constant 0 : i32
      %dma_start3A_400 = tpu.memref_slice %arg4[%add3A_396, %dma_start3A_399] : memref<16384x1024xf32, #tpu.memory_space<hbm>> -> memref<8x1024xf32, #tpu.memory_space<hbm>>
      tpu.enqueue_dma source(%arg7 : memref<8x1024xf32, #tpu.memory_space<vmem>>) target(%dma_start3A_400 : memref<8x1024xf32, #tpu.memory_space<hbm>>) target_semaphore(%arg10 : memref<!tpu.dma_semaphore, #tpu.memory_space<semaphore_mem>>)
      %add3A_401 = arith.constant 1 : i32
      %add3A_402 = arith.addi %mul3A_259, %add3A_401 : i32
      %add3A_403 = arith.constant 2 : i32
      %add3A_404 = arith.addi %add3A_402, %add3A_403 : i32
      %lt3A_405 = arith.constant 64 : i32
      %lt3A_406 = arith.cmpi slt, %add3A_404, %lt3A_405 : i32
      %convert_element_type3A_407 = arith.extui %lt3A_406 : i1 to i32
      %cond3A_408 = arith.constant 0 : i32
      %cond3A_409 = arith.cmpi ne, %convert_element_type3A_407, %cond3A_408 : i32
      scf.if %cond3A_409 {
        %add3A_548 = arith.constant 2 : i32
        %add3A_549 = arith.addi %add3A_402, %add3A_548 : i32
        %rem3A_550 = arith.constant 3 : i32
        %rem3A_551 = arith.remsi %add3A_549, %rem3A_550 : i32
        %mul3A_552 = arith.constant 8 : i32
        %mul3A_553 = arith.muli %add3A_549, %mul3A_552 : i32
        %dma_start3A_554 = arith.constant 0 : i32
        %dma_start3A_555 = arith.constant 0 : i32
        %dma_start3A_556 = arith.constant 0 : i32
        %dma_start3A_557 = arith.constant 0 : i32
        %dma_start3A_558 = tpu.memref_slice %arg6[%rem3A_551, %dma_start3A_555, %dma_start3A_556, %dma_start3A_557] : memref<3x7x8x512xi32, #tpu.memory_space<vmem>> -> memref<1x1x8x512xi32, #tpu.memory_space<vmem>>
        %dma_start3A_559 = tpu.memref_squeeze %dma_start3A_558 : memref<1x1x8x512xi32, #tpu.memory_space<vmem>> -> memref<8x512xi32, #tpu.memory_space<vmem>>
        %dma_start3A_560 = tpu.memref_slice %arg5[%dma_start3A_554, %mul3A_553] : memref<7x512xi32, #tpu.memory_space<vmem>> -> memref<1x8xi32, #tpu.memory_space<vmem>>
        %dma_start3A_561 = tpu.memref_squeeze %dma_start3A_560 : memref<1x8xi32, #tpu.memory_space<vmem>> -> memref<8xi32, #tpu.memory_space<vmem>>
        %dma_start3A_562 = arith.constant 0 : i32
        %dma_start3A_563 = arith.constant 0 : i32
        %dma_start3A_564 = tpu.memref_slice %arg2[%dma_start3A_562, %dma_start3A_563] : memref<8200x512xi32, #tpu.memory_space<hbm>> -> memref<8200x512xi32, #tpu.memory_space<hbm>>
        %dma_start3A_565 = tpu.memref_slice %arg9[%rem3A_551] : memref<3x!tpu.dma_semaphore, #tpu.memory_space<semaphore_mem>> -> memref<1x!tpu.dma_semaphore, #tpu.memory_space<semaphore_mem>>
        %dma_start3A_566 = tpu.memref_squeeze %dma_start3A_565 : memref<1x!tpu.dma_semaphore, #tpu.memory_space<semaphore_mem>> -> memref<!tpu.dma_semaphore, #tpu.memory_space<semaphore_mem>>
        tpu.enqueue_indirect_dma source(%dma_start3A_564 : memref<8200x512xi32, #tpu.memory_space<hbm>>) target(%dma_start3A_559 : memref<8x512xi32, #tpu.memory_space<vmem>>) offsets(%dma_start3A_561 : memref<8xi32, #tpu.memory_space<vmem>>) semaphore(%dma_start3A_566 : memref<!tpu.dma_semaphore, #tpu.memory_space<semaphore_mem>>)
        %rem3A_567 = arith.constant 3 : i32
        %rem3A_568 = arith.remsi %add3A_549, %rem3A_567 : i32
        %mul3A_569 = arith.constant 8 : i32
        %mul3A_570 = arith.muli %add3A_549, %mul3A_569 : i32
        %dma_start3A_571 = arith.constant 1 : i32
        %dma_start3A_572 = arith.constant 1 : i32
        %dma_start3A_573 = arith.constant 0 : i32
        %dma_start3A_574 = arith.constant 0 : i32
        %dma_start3A_575 = tpu.memref_slice %arg6[%rem3A_568, %dma_start3A_572, %dma_start3A_573, %dma_start3A_574] : memref<3x7x8x512xi32, #tpu.memory_space<vmem>> -> memref<1x1x8x512xi32, #tpu.memory_space<vmem>>
        %dma_start3A_576 = tpu.memref_squeeze %dma_start3A_575 : memref<1x1x8x512xi32, #tpu.memory_space<vmem>> -> memref<8x512xi32, #tpu.memory_space<vmem>>
        %dma_start3A_577 = tpu.memref_slice %arg5[%dma_start3A_571, %mul3A_570] : memref<7x512xi32, #tpu.memory_space<vmem>> -> memref<1x8xi32, #tpu.memory_space<vmem>>
        %dma_start3A_578 = tpu.memref_squeeze %dma_start3A_577 : memref<1x8xi32, #tpu.memory_space<vmem>> -> memref<8xi32, #tpu.memory_space<vmem>>
        %dma_start3A_579 = arith.constant 0 : i32
        %dma_start3A_580 = arith.constant 0 : i32
        %dma_start3A_581 = tpu.memref_slice %arg2[%dma_start3A_579, %dma_start3A_580] : memref<8200x512xi32, #tpu.memory_space<hbm>> -> memref<8200x512xi32, #tpu.memory_space<hbm>>
        %dma_start3A_582 = tpu.memref_slice %arg9[%rem3A_568] : memref<3x!tpu.dma_semaphore, #tpu.memory_space<semaphore_mem>> -> memref<1x!tpu.dma_semaphore, #tpu.memory_space<semaphore_mem>>
        %dma_start3A_583 = tpu.memref_squeeze %dma_start3A_582 : memref<1x!tpu.dma_semaphore, #tpu.memory_space<semaphore_mem>> -> memref<!tpu.dma_semaphore, #tpu.memory_space<semaphore_mem>>
        tpu.enqueue_indirect_dma source(%dma_start3A_581 : memref<8200x512xi32, #tpu.memory_space<hbm>>) target(%dma_start3A_576 : memref<8x512xi32, #tpu.memory_space<vmem>>) offsets(%dma_start3A_578 : memref<8xi32, #tpu.memory_space<vmem>>) semaphore(%dma_start3A_583 : memref<!tpu.dma_semaphore, #tpu.memory_space<semaphore_mem>>)
        %rem3A_584 = arith.constant 3 : i32
        %rem3A_585 = arith.remsi %add3A_549, %rem3A_584 : i32
        %mul3A_586 = arith.constant 8 : i32
        %mul3A_587 = arith.muli %add3A_549, %mul3A_586 : i32
        %dma_start3A_588 = arith.constant 2 : i32
        %dma_start3A_589 = arith.constant 2 : i32
        %dma_start3A_590 = arith.constant 0 : i32
        %dma_start3A_591 = arith.constant 0 : i32
        %dma_start3A_592 = tpu.memref_slice %arg6[%rem3A_585, %dma_start3A_589, %dma_start3A_590, %dma_start3A_591] : memref<3x7x8x512xi32, #tpu.memory_space<vmem>> -> memref<1x1x8x512xi32, #tpu.memory_space<vmem>>
        %dma_start3A_593 = tpu.memref_squeeze %dma_start3A_592 : memref<1x1x8x512xi32, #tpu.memory_space<vmem>> -> memref<8x512xi32, #tpu.memory_space<vmem>>
        %dma_start3A_594 = tpu.memref_slice %arg5[%dma_start3A_588, %mul3A_587] : memref<7x512xi32, #tpu.memory_space<vmem>> -> memref<1x8xi32, #tpu.memory_space<vmem>>
        %dma_start3A_595 = tpu.memref_squeeze %dma_start3A_594 : memref<1x8xi32, #tpu.memory_space<vmem>> -> memref<8xi32, #tpu.memory_space<vmem>>
        %dma_start3A_596 = arith.constant 0 : i32
        %dma_start3A_597 = arith.constant 0 : i32
        %dma_start3A_598 = tpu.memref_slice %arg2[%dma_start3A_596, %dma_start3A_597] : memref<8200x512xi32, #tpu.memory_space<hbm>> -> memref<8200x512xi32, #tpu.memory_space<hbm>>
        %dma_start3A_599 = tpu.memref_slice %arg9[%rem3A_585] : memref<3x!tpu.dma_semaphore, #tpu.memory_space<semaphore_mem>> -> memref<1x!tpu.dma_semaphore, #tpu.memory_space<semaphore_mem>>
        %dma_start3A_600 = tpu.memref_squeeze %dma_start3A_599 : memref<1x!tpu.dma_semaphore, #tpu.memory_space<semaphore_mem>> -> memref<!tpu.dma_semaphore, #tpu.memory_space<semaphore_mem>>
        tpu.enqueue_indirect_dma source(%dma_start3A_598 : memref<8200x512xi32, #tpu.memory_space<hbm>>) target(%dma_start3A_593 : memref<8x512xi32, #tpu.memory_space<vmem>>) offsets(%dma_start3A_595 : memref<8xi32, #tpu.memory_space<vmem>>) semaphore(%dma_start3A_600 : memref<!tpu.dma_semaphore, #tpu.memory_space<semaphore_mem>>)
        %rem3A_601 = arith.constant 3 : i32
        %rem3A_602 = arith.remsi %add3A_549, %rem3A_601 : i32
        %mul3A_603 = arith.constant 8 : i32
        %mul3A_604 = arith.muli %add3A_549, %mul3A_603 : i32
        %dma_start3A_605 = arith.constant 3 : i32
        %dma_start3A_606 = arith.constant 3 : i32
        %dma_start3A_607 = arith.constant 0 : i32
        %dma_start3A_608 = arith.constant 0 : i32
        %dma_start3A_609 = tpu.memref_slice %arg6[%rem3A_602, %dma_start3A_606, %dma_start3A_607, %dma_start3A_608] : memref<3x7x8x512xi32, #tpu.memory_space<vmem>> -> memref<1x1x8x512xi32, #tpu.memory_space<vmem>>
        %dma_start3A_610 = tpu.memref_squeeze %dma_start3A_609 : memref<1x1x8x512xi32, #tpu.memory_space<vmem>> -> memref<8x512xi32, #tpu.memory_space<vmem>>
        %dma_start3A_611 = tpu.memref_slice %arg5[%dma_start3A_605, %mul3A_604] : memref<7x512xi32, #tpu.memory_space<vmem>> -> memref<1x8xi32, #tpu.memory_space<vmem>>
        %dma_start3A_612 = tpu.memref_squeeze %dma_start3A_611 : memref<1x8xi32, #tpu.memory_space<vmem>> -> memref<8xi32, #tpu.memory_space<vmem>>
        %dma_start3A_613 = arith.constant 0 : i32
        %dma_start3A_614 = arith.constant 0 : i32
        %dma_start3A_615 = tpu.memref_slice %arg2[%dma_start3A_613, %dma_start3A_614] : memref<8200x512xi32, #tpu.memory_space<hbm>> -> memref<8200x512xi32, #tpu.memory_space<hbm>>
        %dma_start3A_616 = tpu.memref_slice %arg9[%rem3A_602] : memref<3x!tpu.dma_semaphore, #tpu.memory_space<semaphore_mem>> -> memref<1x!tpu.dma_semaphore, #tpu.memory_space<semaphore_mem>>
        %dma_start3A_617 = tpu.memref_squeeze %dma_start3A_616 : memref<1x!tpu.dma_semaphore, #tpu.memory_space<semaphore_mem>> -> memref<!tpu.dma_semaphore, #tpu.memory_space<semaphore_mem>>
        tpu.enqueue_indirect_dma source(%dma_start3A_615 : memref<8200x512xi32, #tpu.memory_space<hbm>>) target(%dma_start3A_610 : memref<8x512xi32, #tpu.memory_space<vmem>>) offsets(%dma_start3A_612 : memref<8xi32, #tpu.memory_space<vmem>>) semaphore(%dma_start3A_617 : memref<!tpu.dma_semaphore, #tpu.memory_space<semaphore_mem>>)
        %rem3A_618 = arith.constant 3 : i32
        %rem3A_619 = arith.remsi %add3A_549, %rem3A_618 : i32
        %mul3A_620 = arith.constant 8 : i32
        %mul3A_621 = arith.muli %add3A_549, %mul3A_620 : i32
        %dma_start3A_622 = arith.constant 4 : i32
        %dma_start3A_623 = arith.constant 4 : i32
        %dma_start3A_624 = arith.constant 0 : i32
        %dma_start3A_625 = arith.constant 0 : i32
        %dma_start3A_626 = tpu.memref_slice %arg6[%rem3A_619, %dma_start3A_623, %dma_start3A_624, %dma_start3A_625] : memref<3x7x8x512xi32, #tpu.memory_space<vmem>> -> memref<1x1x8x512xi32, #tpu.memory_space<vmem>>
        %dma_start3A_627 = tpu.memref_squeeze %dma_start3A_626 : memref<1x1x8x512xi32, #tpu.memory_space<vmem>> -> memref<8x512xi32, #tpu.memory_space<vmem>>
        %dma_start3A_628 = tpu.memref_slice %arg5[%dma_start3A_622, %mul3A_621] : memref<7x512xi32, #tpu.memory_space<vmem>> -> memref<1x8xi32, #tpu.memory_space<vmem>>
        %dma_start3A_629 = tpu.memref_squeeze %dma_start3A_628 : memref<1x8xi32, #tpu.memory_space<vmem>> -> memref<8xi32, #tpu.memory_space<vmem>>
        %dma_start3A_630 = arith.constant 0 : i32
        %dma_start3A_631 = arith.constant 0 : i32
        %dma_start3A_632 = tpu.memref_slice %arg2[%dma_start3A_630, %dma_start3A_631] : memref<8200x512xi32, #tpu.memory_space<hbm>> -> memref<8200x512xi32, #tpu.memory_space<hbm>>
        %dma_start3A_633 = tpu.memref_slice %arg9[%rem3A_619] : memref<3x!tpu.dma_semaphore, #tpu.memory_space<semaphore_mem>> -> memref<1x!tpu.dma_semaphore, #tpu.memory_space<semaphore_mem>>
        %dma_start3A_634 = tpu.memref_squeeze %dma_start3A_633 : memref<1x!tpu.dma_semaphore, #tpu.memory_space<semaphore_mem>> -> memref<!tpu.dma_semaphore, #tpu.memory_space<semaphore_mem>>
        tpu.enqueue_indirect_dma source(%dma_start3A_632 : memref<8200x512xi32, #tpu.memory_space<hbm>>) target(%dma_start3A_627 : memref<8x512xi32, #tpu.memory_space<vmem>>) offsets(%dma_start3A_629 : memref<8xi32, #tpu.memory_space<vmem>>) semaphore(%dma_start3A_634 : memref<!tpu.dma_semaphore, #tpu.memory_space<semaphore_mem>>)
        %rem3A_635 = arith.constant 3 : i32
        %rem3A_636 = arith.remsi %add3A_549, %rem3A_635 : i32
        %mul3A_637 = arith.constant 8 : i32
        %mul3A_638 = arith.muli %add3A_549, %mul3A_637 : i32
        %dma_start3A_639 = arith.constant 5 : i32
        %dma_start3A_640 = arith.constant 5 : i32
        %dma_start3A_641 = arith.constant 0 : i32
        %dma_start3A_642 = arith.constant 0 : i32
        %dma_start3A_643 = tpu.memref_slice %arg6[%rem3A_636, %dma_start3A_640, %dma_start3A_641, %dma_start3A_642] : memref<3x7x8x512xi32, #tpu.memory_space<vmem>> -> memref<1x1x8x512xi32, #tpu.memory_space<vmem>>
        %dma_start3A_644 = tpu.memref_squeeze %dma_start3A_643 : memref<1x1x8x512xi32, #tpu.memory_space<vmem>> -> memref<8x512xi32, #tpu.memory_space<vmem>>
        %dma_start3A_645 = tpu.memref_slice %arg5[%dma_start3A_639, %mul3A_638] : memref<7x512xi32, #tpu.memory_space<vmem>> -> memref<1x8xi32, #tpu.memory_space<vmem>>
        %dma_start3A_646 = tpu.memref_squeeze %dma_start3A_645 : memref<1x8xi32, #tpu.memory_space<vmem>> -> memref<8xi32, #tpu.memory_space<vmem>>
        %dma_start3A_647 = arith.constant 0 : i32
        %dma_start3A_648 = arith.constant 0 : i32
        %dma_start3A_649 = tpu.memref_slice %arg2[%dma_start3A_647, %dma_start3A_648] : memref<8200x512xi32, #tpu.memory_space<hbm>> -> memref<8200x512xi32, #tpu.memory_space<hbm>>
        %dma_start3A_650 = tpu.memref_slice %arg9[%rem3A_636] : memref<3x!tpu.dma_semaphore, #tpu.memory_space<semaphore_mem>> -> memref<1x!tpu.dma_semaphore, #tpu.memory_space<semaphore_mem>>
        %dma_start3A_651 = tpu.memref_squeeze %dma_start3A_650 : memref<1x!tpu.dma_semaphore, #tpu.memory_space<semaphore_mem>> -> memref<!tpu.dma_semaphore, #tpu.memory_space<semaphore_mem>>
        tpu.enqueue_indirect_dma source(%dma_start3A_649 : memref<8200x512xi32, #tpu.memory_space<hbm>>) target(%dma_start3A_644 : memref<8x512xi32, #tpu.memory_space<vmem>>) offsets(%dma_start3A_646 : memref<8xi32, #tpu.memory_space<vmem>>) semaphore(%dma_start3A_651 : memref<!tpu.dma_semaphore, #tpu.memory_space<semaphore_mem>>)
        %rem3A_652 = arith.constant 3 : i32
        %rem3A_653 = arith.remsi %add3A_549, %rem3A_652 : i32
        %mul3A_654 = arith.constant 8 : i32
        %mul3A_655 = arith.muli %add3A_549, %mul3A_654 : i32
        %dma_start3A_656 = arith.constant 6 : i32
        %dma_start3A_657 = arith.constant 6 : i32
        %dma_start3A_658 = arith.constant 0 : i32
        %dma_start3A_659 = arith.constant 0 : i32
        %dma_start3A_660 = tpu.memref_slice %arg6[%rem3A_653, %dma_start3A_657, %dma_start3A_658, %dma_start3A_659] : memref<3x7x8x512xi32, #tpu.memory_space<vmem>> -> memref<1x1x8x512xi32, #tpu.memory_space<vmem>>
        %dma_start3A_661 = tpu.memref_squeeze %dma_start3A_660 : memref<1x1x8x512xi32, #tpu.memory_space<vmem>> -> memref<8x512xi32, #tpu.memory_space<vmem>>
        %dma_start3A_662 = tpu.memref_slice %arg5[%dma_start3A_656, %mul3A_655] : memref<7x512xi32, #tpu.memory_space<vmem>> -> memref<1x8xi32, #tpu.memory_space<vmem>>
        %dma_start3A_663 = tpu.memref_squeeze %dma_start3A_662 : memref<1x8xi32, #tpu.memory_space<vmem>> -> memref<8xi32, #tpu.memory_space<vmem>>
        %dma_start3A_664 = arith.constant 0 : i32
        %dma_start3A_665 = arith.constant 0 : i32
        %dma_start3A_666 = tpu.memref_slice %arg2[%dma_start3A_664, %dma_start3A_665] : memref<8200x512xi32, #tpu.memory_space<hbm>> -> memref<8200x512xi32, #tpu.memory_space<hbm>>
        %dma_start3A_667 = tpu.memref_slice %arg9[%rem3A_653] : memref<3x!tpu.dma_semaphore, #tpu.memory_space<semaphore_mem>> -> memref<1x!tpu.dma_semaphore, #tpu.memory_space<semaphore_mem>>
        %dma_start3A_668 = tpu.memref_squeeze %dma_start3A_667 : memref<1x!tpu.dma_semaphore, #tpu.memory_space<semaphore_mem>> -> memref<!tpu.dma_semaphore, #tpu.memory_space<semaphore_mem>>
        tpu.enqueue_indirect_dma source(%dma_start3A_666 : memref<8200x512xi32, #tpu.memory_space<hbm>>) target(%dma_start3A_661 : memref<8x512xi32, #tpu.memory_space<vmem>>) offsets(%dma_start3A_663 : memref<8xi32, #tpu.memory_space<vmem>>) semaphore(%dma_start3A_668 : memref<!tpu.dma_semaphore, #tpu.memory_space<semaphore_mem>>)
      } else {
      }
      %rem3A_410 = arith.constant 3 : i32
      %rem3A_411 = arith.remsi %add3A_402, %rem3A_410 : i32
      %mul3A_412 = arith.constant 8 : i32
      %mul3A_413 = arith.muli %add3A_402, %mul3A_412 : i32
      %dma_wait3A_414 = arith.constant 0 : i32
      %dma_wait3A_415 = arith.constant 0 : i32
      %dma_wait3A_416 = arith.constant 0 : i32
      %dma_wait3A_417 = arith.constant 0 : i32
      %dma_wait3A_418 = tpu.memref_slice %arg6[%rem3A_411, %dma_wait3A_415, %dma_wait3A_416, %dma_wait3A_417] : memref<3x7x8x512xi32, #tpu.memory_space<vmem>> -> memref<1x1x8x512xi32, #tpu.memory_space<vmem>>
      %dma_wait3A_419 = tpu.memref_squeeze %dma_wait3A_418 : memref<1x1x8x512xi32, #tpu.memory_space<vmem>> -> memref<8x512xi32, #tpu.memory_space<vmem>>
      %dma_wait3A_420 = tpu.memref_slice %arg5[%dma_wait3A_414, %mul3A_413] : memref<7x512xi32, #tpu.memory_space<vmem>> -> memref<1x8xi32, #tpu.memory_space<vmem>>
      %dma_wait3A_421 = tpu.memref_squeeze %dma_wait3A_420 : memref<1x8xi32, #tpu.memory_space<vmem>> -> memref<8xi32, #tpu.memory_space<vmem>>
      %dma_wait3A_422 = arith.constant 0 : i32
      %dma_wait3A_423 = arith.constant 0 : i32
      %dma_wait3A_424 = tpu.memref_slice %arg2[%dma_wait3A_422, %dma_wait3A_423] : memref<8200x512xi32, #tpu.memory_space<hbm>> -> memref<8200x512xi32, #tpu.memory_space<hbm>>
      %dma_wait3A_425 = tpu.memref_slice %arg9[%rem3A_411] : memref<3x!tpu.dma_semaphore, #tpu.memory_space<semaphore_mem>> -> memref<1x!tpu.dma_semaphore, #tpu.memory_space<semaphore_mem>>
      %dma_wait3A_426 = tpu.memref_squeeze %dma_wait3A_425 : memref<1x!tpu.dma_semaphore, #tpu.memory_space<semaphore_mem>> -> memref<!tpu.dma_semaphore, #tpu.memory_space<semaphore_mem>>
      tpu.wait_indirect_dma semaphore(%dma_wait3A_426 : memref<!tpu.dma_semaphore, #tpu.memory_space<semaphore_mem>>) src(%dma_wait3A_424 : memref<8200x512xi32, #tpu.memory_space<hbm>>) dst(%dma_wait3A_419 : memref<8x512xi32, #tpu.memory_space<vmem>>)
      %rem3A_427 = arith.constant 3 : i32
      %rem3A_428 = arith.remsi %add3A_402, %rem3A_427 : i32
      %mul3A_429 = arith.constant 8 : i32
      %mul3A_430 = arith.muli %add3A_402, %mul3A_429 : i32
      %dma_wait3A_431 = arith.constant 1 : i32
      %dma_wait3A_432 = arith.constant 1 : i32
      %dma_wait3A_433 = arith.constant 0 : i32
      %dma_wait3A_434 = arith.constant 0 : i32
      %dma_wait3A_435 = tpu.memref_slice %arg6[%rem3A_428, %dma_wait3A_432, %dma_wait3A_433, %dma_wait3A_434] : memref<3x7x8x512xi32, #tpu.memory_space<vmem>> -> memref<1x1x8x512xi32, #tpu.memory_space<vmem>>
      %dma_wait3A_436 = tpu.memref_squeeze %dma_wait3A_435 : memref<1x1x8x512xi32, #tpu.memory_space<vmem>> -> memref<8x512xi32, #tpu.memory_space<vmem>>
      %dma_wait3A_437 = tpu.memref_slice %arg5[%dma_wait3A_431, %mul3A_430] : memref<7x512xi32, #tpu.memory_space<vmem>> -> memref<1x8xi32, #tpu.memory_space<vmem>>
      %dma_wait3A_438 = tpu.memref_squeeze %dma_wait3A_437 : memref<1x8xi32, #tpu.memory_space<vmem>> -> memref<8xi32, #tpu.memory_space<vmem>>
      %dma_wait3A_439 = arith.constant 0 : i32
      %dma_wait3A_440 = arith.constant 0 : i32
      %dma_wait3A_441 = tpu.memref_slice %arg2[%dma_wait3A_439, %dma_wait3A_440] : memref<8200x512xi32, #tpu.memory_space<hbm>> -> memref<8200x512xi32, #tpu.memory_space<hbm>>
      %dma_wait3A_442 = tpu.memref_slice %arg9[%rem3A_428] : memref<3x!tpu.dma_semaphore, #tpu.memory_space<semaphore_mem>> -> memref<1x!tpu.dma_semaphore, #tpu.memory_space<semaphore_mem>>
      %dma_wait3A_443 = tpu.memref_squeeze %dma_wait3A_442 : memref<1x!tpu.dma_semaphore, #tpu.memory_space<semaphore_mem>> -> memref<!tpu.dma_semaphore, #tpu.memory_space<semaphore_mem>>
      tpu.wait_indirect_dma semaphore(%dma_wait3A_443 : memref<!tpu.dma_semaphore, #tpu.memory_space<semaphore_mem>>) src(%dma_wait3A_441 : memref<8200x512xi32, #tpu.memory_space<hbm>>) dst(%dma_wait3A_436 : memref<8x512xi32, #tpu.memory_space<vmem>>)
      %rem3A_444 = arith.constant 3 : i32
      %rem3A_445 = arith.remsi %add3A_402, %rem3A_444 : i32
      %mul3A_446 = arith.constant 8 : i32
      %mul3A_447 = arith.muli %add3A_402, %mul3A_446 : i32
      %dma_wait3A_448 = arith.constant 2 : i32
      %dma_wait3A_449 = arith.constant 2 : i32
      %dma_wait3A_450 = arith.constant 0 : i32
      %dma_wait3A_451 = arith.constant 0 : i32
      %dma_wait3A_452 = tpu.memref_slice %arg6[%rem3A_445, %dma_wait3A_449, %dma_wait3A_450, %dma_wait3A_451] : memref<3x7x8x512xi32, #tpu.memory_space<vmem>> -> memref<1x1x8x512xi32, #tpu.memory_space<vmem>>
      %dma_wait3A_453 = tpu.memref_squeeze %dma_wait3A_452 : memref<1x1x8x512xi32, #tpu.memory_space<vmem>> -> memref<8x512xi32, #tpu.memory_space<vmem>>
      %dma_wait3A_454 = tpu.memref_slice %arg5[%dma_wait3A_448, %mul3A_447] : memref<7x512xi32, #tpu.memory_space<vmem>> -> memref<1x8xi32, #tpu.memory_space<vmem>>
      %dma_wait3A_455 = tpu.memref_squeeze %dma_wait3A_454 : memref<1x8xi32, #tpu.memory_space<vmem>> -> memref<8xi32, #tpu.memory_space<vmem>>
      %dma_wait3A_456 = arith.constant 0 : i32
      %dma_wait3A_457 = arith.constant 0 : i32
      %dma_wait3A_458 = tpu.memref_slice %arg2[%dma_wait3A_456, %dma_wait3A_457] : memref<8200x512xi32, #tpu.memory_space<hbm>> -> memref<8200x512xi32, #tpu.memory_space<hbm>>
      %dma_wait3A_459 = tpu.memref_slice %arg9[%rem3A_445] : memref<3x!tpu.dma_semaphore, #tpu.memory_space<semaphore_mem>> -> memref<1x!tpu.dma_semaphore, #tpu.memory_space<semaphore_mem>>
      %dma_wait3A_460 = tpu.memref_squeeze %dma_wait3A_459 : memref<1x!tpu.dma_semaphore, #tpu.memory_space<semaphore_mem>> -> memref<!tpu.dma_semaphore, #tpu.memory_space<semaphore_mem>>
      tpu.wait_indirect_dma semaphore(%dma_wait3A_460 : memref<!tpu.dma_semaphore, #tpu.memory_space<semaphore_mem>>) src(%dma_wait3A_458 : memref<8200x512xi32, #tpu.memory_space<hbm>>) dst(%dma_wait3A_453 : memref<8x512xi32, #tpu.memory_space<vmem>>)
      %rem3A_461 = arith.constant 3 : i32
      %rem3A_462 = arith.remsi %add3A_402, %rem3A_461 : i32
      %mul3A_463 = arith.constant 8 : i32
      %mul3A_464 = arith.muli %add3A_402, %mul3A_463 : i32
      %dma_wait3A_465 = arith.constant 3 : i32
      %dma_wait3A_466 = arith.constant 3 : i32
      %dma_wait3A_467 = arith.constant 0 : i32
      %dma_wait3A_468 = arith.constant 0 : i32
      %dma_wait3A_469 = tpu.memref_slice %arg6[%rem3A_462, %dma_wait3A_466, %dma_wait3A_467, %dma_wait3A_468] : memref<3x7x8x512xi32, #tpu.memory_space<vmem>> -> memref<1x1x8x512xi32, #tpu.memory_space<vmem>>
      %dma_wait3A_470 = tpu.memref_squeeze %dma_wait3A_469 : memref<1x1x8x512xi32, #tpu.memory_space<vmem>> -> memref<8x512xi32, #tpu.memory_space<vmem>>
      %dma_wait3A_471 = tpu.memref_slice %arg5[%dma_wait3A_465, %mul3A_464] : memref<7x512xi32, #tpu.memory_space<vmem>> -> memref<1x8xi32, #tpu.memory_space<vmem>>
      %dma_wait3A_472 = tpu.memref_squeeze %dma_wait3A_471 : memref<1x8xi32, #tpu.memory_space<vmem>> -> memref<8xi32, #tpu.memory_space<vmem>>
      %dma_wait3A_473 = arith.constant 0 : i32
      %dma_wait3A_474 = arith.constant 0 : i32
      %dma_wait3A_475 = tpu.memref_slice %arg2[%dma_wait3A_473, %dma_wait3A_474] : memref<8200x512xi32, #tpu.memory_space<hbm>> -> memref<8200x512xi32, #tpu.memory_space<hbm>>
      %dma_wait3A_476 = tpu.memref_slice %arg9[%rem3A_462] : memref<3x!tpu.dma_semaphore, #tpu.memory_space<semaphore_mem>> -> memref<1x!tpu.dma_semaphore, #tpu.memory_space<semaphore_mem>>
      %dma_wait3A_477 = tpu.memref_squeeze %dma_wait3A_476 : memref<1x!tpu.dma_semaphore, #tpu.memory_space<semaphore_mem>> -> memref<!tpu.dma_semaphore, #tpu.memory_space<semaphore_mem>>
      tpu.wait_indirect_dma semaphore(%dma_wait3A_477 : memref<!tpu.dma_semaphore, #tpu.memory_space<semaphore_mem>>) src(%dma_wait3A_475 : memref<8200x512xi32, #tpu.memory_space<hbm>>) dst(%dma_wait3A_470 : memref<8x512xi32, #tpu.memory_space<vmem>>)
      %rem3A_478 = arith.constant 3 : i32
      %rem3A_479 = arith.remsi %add3A_402, %rem3A_478 : i32
      %mul3A_480 = arith.constant 8 : i32
      %mul3A_481 = arith.muli %add3A_402, %mul3A_480 : i32
      %dma_wait3A_482 = arith.constant 4 : i32
      %dma_wait3A_483 = arith.constant 4 : i32
      %dma_wait3A_484 = arith.constant 0 : i32
      %dma_wait3A_485 = arith.constant 0 : i32
      %dma_wait3A_486 = tpu.memref_slice %arg6[%rem3A_479, %dma_wait3A_483, %dma_wait3A_484, %dma_wait3A_485] : memref<3x7x8x512xi32, #tpu.memory_space<vmem>> -> memref<1x1x8x512xi32, #tpu.memory_space<vmem>>
      %dma_wait3A_487 = tpu.memref_squeeze %dma_wait3A_486 : memref<1x1x8x512xi32, #tpu.memory_space<vmem>> -> memref<8x512xi32, #tpu.memory_space<vmem>>
      %dma_wait3A_488 = tpu.memref_slice %arg5[%dma_wait3A_482, %mul3A_481] : memref<7x512xi32, #tpu.memory_space<vmem>> -> memref<1x8xi32, #tpu.memory_space<vmem>>
      %dma_wait3A_489 = tpu.memref_squeeze %dma_wait3A_488 : memref<1x8xi32, #tpu.memory_space<vmem>> -> memref<8xi32, #tpu.memory_space<vmem>>
      %dma_wait3A_490 = arith.constant 0 : i32
      %dma_wait3A_491 = arith.constant 0 : i32
      %dma_wait3A_492 = tpu.memref_slice %arg2[%dma_wait3A_490, %dma_wait3A_491] : memref<8200x512xi32, #tpu.memory_space<hbm>> -> memref<8200x512xi32, #tpu.memory_space<hbm>>
      %dma_wait3A_493 = tpu.memref_slice %arg9[%rem3A_479] : memref<3x!tpu.dma_semaphore, #tpu.memory_space<semaphore_mem>> -> memref<1x!tpu.dma_semaphore, #tpu.memory_space<semaphore_mem>>
      %dma_wait3A_494 = tpu.memref_squeeze %dma_wait3A_493 : memref<1x!tpu.dma_semaphore, #tpu.memory_space<semaphore_mem>> -> memref<!tpu.dma_semaphore, #tpu.memory_space<semaphore_mem>>
      tpu.wait_indirect_dma semaphore(%dma_wait3A_494 : memref<!tpu.dma_semaphore, #tpu.memory_space<semaphore_mem>>) src(%dma_wait3A_492 : memref<8200x512xi32, #tpu.memory_space<hbm>>) dst(%dma_wait3A_487 : memref<8x512xi32, #tpu.memory_space<vmem>>)
      %rem3A_495 = arith.constant 3 : i32
      %rem3A_496 = arith.remsi %add3A_402, %rem3A_495 : i32
      %mul3A_497 = arith.constant 8 : i32
      %mul3A_498 = arith.muli %add3A_402, %mul3A_497 : i32
      %dma_wait3A_499 = arith.constant 5 : i32
      %dma_wait3A_500 = arith.constant 5 : i32
      %dma_wait3A_501 = arith.constant 0 : i32
      %dma_wait3A_502 = arith.constant 0 : i32
      %dma_wait3A_503 = tpu.memref_slice %arg6[%rem3A_496, %dma_wait3A_500, %dma_wait3A_501, %dma_wait3A_502] : memref<3x7x8x512xi32, #tpu.memory_space<vmem>> -> memref<1x1x8x512xi32, #tpu.memory_space<vmem>>
      %dma_wait3A_504 = tpu.memref_squeeze %dma_wait3A_503 : memref<1x1x8x512xi32, #tpu.memory_space<vmem>> -> memref<8x512xi32, #tpu.memory_space<vmem>>
      %dma_wait3A_505 = tpu.memref_slice %arg5[%dma_wait3A_499, %mul3A_498] : memref<7x512xi32, #tpu.memory_space<vmem>> -> memref<1x8xi32, #tpu.memory_space<vmem>>
      %dma_wait3A_506 = tpu.memref_squeeze %dma_wait3A_505 : memref<1x8xi32, #tpu.memory_space<vmem>> -> memref<8xi32, #tpu.memory_space<vmem>>
      %dma_wait3A_507 = arith.constant 0 : i32
      %dma_wait3A_508 = arith.constant 0 : i32
      %dma_wait3A_509 = tpu.memref_slice %arg2[%dma_wait3A_507, %dma_wait3A_508] : memref<8200x512xi32, #tpu.memory_space<hbm>> -> memref<8200x512xi32, #tpu.memory_space<hbm>>
      %dma_wait3A_510 = tpu.memref_slice %arg9[%rem3A_496] : memref<3x!tpu.dma_semaphore, #tpu.memory_space<semaphore_mem>> -> memref<1x!tpu.dma_semaphore, #tpu.memory_space<semaphore_mem>>
      %dma_wait3A_511 = tpu.memref_squeeze %dma_wait3A_510 : memref<1x!tpu.dma_semaphore, #tpu.memory_space<semaphore_mem>> -> memref<!tpu.dma_semaphore, #tpu.memory_space<semaphore_mem>>
      tpu.wait_indirect_dma semaphore(%dma_wait3A_511 : memref<!tpu.dma_semaphore, #tpu.memory_space<semaphore_mem>>) src(%dma_wait3A_509 : memref<8200x512xi32, #tpu.memory_space<hbm>>) dst(%dma_wait3A_504 : memref<8x512xi32, #tpu.memory_space<vmem>>)
      %rem3A_512 = arith.constant 3 : i32
      %rem3A_513 = arith.remsi %add3A_402, %rem3A_512 : i32
      %mul3A_514 = arith.constant 8 : i32
      %mul3A_515 = arith.muli %add3A_402, %mul3A_514 : i32
      %dma_wait3A_516 = arith.constant 6 : i32
      %dma_wait3A_517 = arith.constant 6 : i32
      %dma_wait3A_518 = arith.constant 0 : i32
      %dma_wait3A_519 = arith.constant 0 : i32
      %dma_wait3A_520 = tpu.memref_slice %arg6[%rem3A_513, %dma_wait3A_517, %dma_wait3A_518, %dma_wait3A_519] : memref<3x7x8x512xi32, #tpu.memory_space<vmem>> -> memref<1x1x8x512xi32, #tpu.memory_space<vmem>>
      %dma_wait3A_521 = tpu.memref_squeeze %dma_wait3A_520 : memref<1x1x8x512xi32, #tpu.memory_space<vmem>> -> memref<8x512xi32, #tpu.memory_space<vmem>>
      %dma_wait3A_522 = tpu.memref_slice %arg5[%dma_wait3A_516, %mul3A_515] : memref<7x512xi32, #tpu.memory_space<vmem>> -> memref<1x8xi32, #tpu.memory_space<vmem>>
      %dma_wait3A_523 = tpu.memref_squeeze %dma_wait3A_522 : memref<1x8xi32, #tpu.memory_space<vmem>> -> memref<8xi32, #tpu.memory_space<vmem>>
      %dma_wait3A_524 = arith.constant 0 : i32
      %dma_wait3A_525 = arith.constant 0 : i32
      %dma_wait3A_526 = tpu.memref_slice %arg2[%dma_wait3A_524, %dma_wait3A_525] : memref<8200x512xi32, #tpu.memory_space<hbm>> -> memref<8200x512xi32, #tpu.memory_space<hbm>>
      %dma_wait3A_527 = tpu.memref_slice %arg9[%rem3A_513] : memref<3x!tpu.dma_semaphore, #tpu.memory_space<semaphore_mem>> -> memref<1x!tpu.dma_semaphore, #tpu.memory_space<semaphore_mem>>
      %dma_wait3A_528 = tpu.memref_squeeze %dma_wait3A_527 : memref<1x!tpu.dma_semaphore, #tpu.memory_space<semaphore_mem>> -> memref<!tpu.dma_semaphore, #tpu.memory_space<semaphore_mem>>
      tpu.wait_indirect_dma semaphore(%dma_wait3A_528 : memref<!tpu.dma_semaphore, #tpu.memory_space<semaphore_mem>>) src(%dma_wait3A_526 : memref<8200x512xi32, #tpu.memory_space<hbm>>) dst(%dma_wait3A_521 : memref<8x512xi32, #tpu.memory_space<vmem>>)
      %ge3A_529 = arith.constant 1 : i32
      %ge3A_530 = arith.cmpi sge, %scan3A_256, %ge3A_529 : i32
      %convert_element_type3A_531 = arith.extui %ge3A_530 : i1 to i32
      %cond3A_532 = arith.constant 0 : i32
      %cond3A_533 = arith.cmpi ne, %convert_element_type3A_531, %cond3A_532 : i32
      scf.if %cond3A_533 {
        %mul3A_548 = arith.constant 8 : i32
        %mul3A_549 = arith.muli %add3A_402, %mul3A_548 : i32
        %add3A_550 = arith.addi %mul3A_2, %mul3A_549 : i32
        %dma_wait3A_551 = arith.constant 0 : i32
        %dma_wait3A_552 = tpu.memref_slice %arg4[%add3A_550, %dma_wait3A_551] : memref<16384x1024xf32, #tpu.memory_space<hbm>> -> memref<8x1024xf32, #tpu.memory_space<hbm>>
        %dma_wait3A_553 = arith.constant 0 : i32
        %dma_wait3A_554 = tpu.memref_slice %arg4[%add3A_550, %dma_wait3A_553] : memref<16384x1024xf32, #tpu.memory_space<hbm>> -> memref<8x1024xf32, #tpu.memory_space<hbm>>
        tpu.wait_dma2 semaphore(%arg11 : memref<!tpu.dma_semaphore, #tpu.memory_space<semaphore_mem>>) src(%arg8 : memref<8x1024xf32, #tpu.memory_space<vmem>>) dst(%dma_wait3A_554 : memref<8x1024xf32, #tpu.memory_space<hbm>>)
      } else {
      }
      %rem3A_534 = arith.constant 3 : i32
      %rem3A_535 = arith.remsi %add3A_402, %rem3A_534 : i32
      %parallel_loop3A_536 = arith.constant 0 : i32
      %parallel_loop3A_537 = arith.constant 256 : i32
      %parallel_loop3A_538 = arith.constant 1 : i32
      %parallel_loop3A_539 = arith.constant -65536 : i32
      scf.for %parallel_loop3A_548 = %parallel_loop3A_536 to %parallel_loop3A_537 step %parallel_loop3A_538  : i32 {
        %parallel_loop3A_549 = arith.constant 5 : i32
        %parallel_loop3A_550 = arith.shrui %parallel_loop3A_548, %parallel_loop3A_549 : i32
        %parallel_loop3A_551 = arith.constant 31 : i32
        %parallel_loop3A_552 = arith.andi %parallel_loop3A_548, %parallel_loop3A_551 : i32
        %parallel_loop3A_553 = arith.constant 4 : i32
        %parallel_loop3A_554 = arith.shli %parallel_loop3A_552, %parallel_loop3A_553 : i32
        %parallel_loop3A_555 = tpu.assume_multiple %parallel_loop3A_554, 16 : i32
        %parallel_loop3A_556 = arith.constant 0 : i32
        %parallel_loop3A_557 = arith.index_cast %rem3A_535 : i32 to index
        %parallel_loop3A_558 = arith.index_cast %parallel_loop3A_556 : i32 to index
        %parallel_loop3A_559 = arith.index_cast %parallel_loop3A_550 : i32 to index
        %parallel_loop3A_560 = arith.index_cast %parallel_loop3A_555 : i32 to index
        %parallel_loop3A_561 = tpu.vector_load %arg6[%parallel_loop3A_557, %parallel_loop3A_558, %parallel_loop3A_559, %parallel_loop3A_560] {strides = array<i32>} : memref<3x7x8x512xi32, #tpu.memory_space<vmem>>, vector<1x1x1x16xi32>,
        %parallel_loop3A_562 = vector.shape_cast %parallel_loop3A_561 : vector<1x1x1x16xi32> to vector<16xi32>
        %parallel_loop3A_563 = arith.constant 16 : i32
        %parallel_loop3A_564 = vector.broadcast %parallel_loop3A_563 : i32 to vector<16xi32>
        %parallel_loop3A_565 = arith.shli %parallel_loop3A_562, %parallel_loop3A_564 : vector<16xi32>
        %parallel_loop3A_566 = tpu.bitcast %parallel_loop3A_565 : vector<16xi32> -> vector<16xf32>
        %parallel_loop3A_567 = vector.broadcast %parallel_loop3A_539 : i32 to vector<16xi32>
        %parallel_loop3A_568 = arith.andi %parallel_loop3A_562, %parallel_loop3A_567 : vector<16xi32>
        %parallel_loop3A_569 = tpu.bitcast %parallel_loop3A_568 : vector<16xi32> -> vector<16xf32>
        %parallel_loop3A_570 = arith.constant 1 : i32
        %parallel_loop3A_571 = arith.index_cast %rem3A_535 : i32 to index
        %parallel_loop3A_572 = arith.index_cast %parallel_loop3A_570 : i32 to index
        %parallel_loop3A_573 = arith.index_cast %parallel_loop3A_550 : i32 to index
        %parallel_loop3A_574 = arith.index_cast %parallel_loop3A_555 : i32 to index
        %parallel_loop3A_575 = tpu.vector_load %arg6[%parallel_loop3A_571, %parallel_loop3A_572, %parallel_loop3A_573, %parallel_loop3A_574] {strides = array<i32>} : memref<3x7x8x512xi32, #tpu.memory_space<vmem>>, vector<1x1x1x16xi32>,
        %parallel_loop3A_576 = vector.shape_cast %parallel_loop3A_575 : vector<1x1x1x16xi32> to vector<16xi32>
        %parallel_loop3A_577 = arith.constant 16 : i32
        %parallel_loop3A_578 = vector.broadcast %parallel_loop3A_577 : i32 to vector<16xi32>
        %parallel_loop3A_579 = arith.shli %parallel_loop3A_576, %parallel_loop3A_578 : vector<16xi32>
        %parallel_loop3A_580 = tpu.bitcast %parallel_loop3A_579 : vector<16xi32> -> vector<16xf32>
        %parallel_loop3A_581 = vector.broadcast %parallel_loop3A_539 : i32 to vector<16xi32>
        %parallel_loop3A_582 = arith.andi %parallel_loop3A_576, %parallel_loop3A_581 : vector<16xi32>
        %parallel_loop3A_583 = tpu.bitcast %parallel_loop3A_582 : vector<16xi32> -> vector<16xf32>
        %parallel_loop3A_584 = arith.addf %parallel_loop3A_566, %parallel_loop3A_580 : vector<16xf32>
        %parallel_loop3A_585 = arith.addf %parallel_loop3A_569, %parallel_loop3A_583 : vector<16xf32>
        %parallel_loop3A_586 = arith.constant 2 : i32
        %parallel_loop3A_587 = arith.index_cast %rem3A_535 : i32 to index
        %parallel_loop3A_588 = arith.index_cast %parallel_loop3A_586 : i32 to index
        %parallel_loop3A_589 = arith.index_cast %parallel_loop3A_550 : i32 to index
        %parallel_loop3A_590 = arith.index_cast %parallel_loop3A_555 : i32 to index
        %parallel_loop3A_591 = tpu.vector_load %arg6[%parallel_loop3A_587, %parallel_loop3A_588, %parallel_loop3A_589, %parallel_loop3A_590] {strides = array<i32>} : memref<3x7x8x512xi32, #tpu.memory_space<vmem>>, vector<1x1x1x16xi32>,
        %parallel_loop3A_592 = vector.shape_cast %parallel_loop3A_591 : vector<1x1x1x16xi32> to vector<16xi32>
        %parallel_loop3A_593 = arith.constant 16 : i32
        %parallel_loop3A_594 = vector.broadcast %parallel_loop3A_593 : i32 to vector<16xi32>
        %parallel_loop3A_595 = arith.shli %parallel_loop3A_592, %parallel_loop3A_594 : vector<16xi32>
        %parallel_loop3A_596 = tpu.bitcast %parallel_loop3A_595 : vector<16xi32> -> vector<16xf32>
        %parallel_loop3A_597 = vector.broadcast %parallel_loop3A_539 : i32 to vector<16xi32>
        %parallel_loop3A_598 = arith.andi %parallel_loop3A_592, %parallel_loop3A_597 : vector<16xi32>
        %parallel_loop3A_599 = tpu.bitcast %parallel_loop3A_598 : vector<16xi32> -> vector<16xf32>
        %parallel_loop3A_600 = arith.addf %parallel_loop3A_584, %parallel_loop3A_596 : vector<16xf32>
        %parallel_loop3A_601 = arith.addf %parallel_loop3A_585, %parallel_loop3A_599 : vector<16xf32>
        %parallel_loop3A_602 = arith.constant 3 : i32
        %parallel_loop3A_603 = arith.index_cast %rem3A_535 : i32 to index
        %parallel_loop3A_604 = arith.index_cast %parallel_loop3A_602 : i32 to index
        %parallel_loop3A_605 = arith.index_cast %parallel_loop3A_550 : i32 to index
        %parallel_loop3A_606 = arith.index_cast %parallel_loop3A_555 : i32 to index
        %parallel_loop3A_607 = tpu.vector_load %arg6[%parallel_loop3A_603, %parallel_loop3A_604, %parallel_loop3A_605, %parallel_loop3A_606] {strides = array<i32>} : memref<3x7x8x512xi32, #tpu.memory_space<vmem>>, vector<1x1x1x16xi32>,
        %parallel_loop3A_608 = vector.shape_cast %parallel_loop3A_607 : vector<1x1x1x16xi32> to vector<16xi32>
        %parallel_loop3A_609 = arith.constant 16 : i32
        %parallel_loop3A_610 = vector.broadcast %parallel_loop3A_609 : i32 to vector<16xi32>
        %parallel_loop3A_611 = arith.shli %parallel_loop3A_608, %parallel_loop3A_610 : vector<16xi32>
        %parallel_loop3A_612 = tpu.bitcast %parallel_loop3A_611 : vector<16xi32> -> vector<16xf32>
        %parallel_loop3A_613 = vector.broadcast %parallel_loop3A_539 : i32 to vector<16xi32>
        %parallel_loop3A_614 = arith.andi %parallel_loop3A_608, %parallel_loop3A_613 : vector<16xi32>
        %parallel_loop3A_615 = tpu.bitcast %parallel_loop3A_614 : vector<16xi32> -> vector<16xf32>
        %parallel_loop3A_616 = arith.addf %parallel_loop3A_600, %parallel_loop3A_612 : vector<16xf32>
        %parallel_loop3A_617 = arith.addf %parallel_loop3A_601, %parallel_loop3A_615 : vector<16xf32>
        %parallel_loop3A_618 = arith.constant 4 : i32
        %parallel_loop3A_619 = arith.index_cast %rem3A_535 : i32 to index
        %parallel_loop3A_620 = arith.index_cast %parallel_loop3A_618 : i32 to index
        %parallel_loop3A_621 = arith.index_cast %parallel_loop3A_550 : i32 to index
        %parallel_loop3A_622 = arith.index_cast %parallel_loop3A_555 : i32 to index
        %parallel_loop3A_623 = tpu.vector_load %arg6[%parallel_loop3A_619, %parallel_loop3A_620, %parallel_loop3A_621, %parallel_loop3A_622] {strides = array<i32>} : memref<3x7x8x512xi32, #tpu.memory_space<vmem>>, vector<1x1x1x16xi32>,
        %parallel_loop3A_624 = vector.shape_cast %parallel_loop3A_623 : vector<1x1x1x16xi32> to vector<16xi32>
        %parallel_loop3A_625 = arith.constant 16 : i32
        %parallel_loop3A_626 = vector.broadcast %parallel_loop3A_625 : i32 to vector<16xi32>
        %parallel_loop3A_627 = arith.shli %parallel_loop3A_624, %parallel_loop3A_626 : vector<16xi32>
        %parallel_loop3A_628 = tpu.bitcast %parallel_loop3A_627 : vector<16xi32> -> vector<16xf32>
        %parallel_loop3A_629 = vector.broadcast %parallel_loop3A_539 : i32 to vector<16xi32>
        %parallel_loop3A_630 = arith.andi %parallel_loop3A_624, %parallel_loop3A_629 : vector<16xi32>
        %parallel_loop3A_631 = tpu.bitcast %parallel_loop3A_630 : vector<16xi32> -> vector<16xf32>
        %parallel_loop3A_632 = arith.addf %parallel_loop3A_616, %parallel_loop3A_628 : vector<16xf32>
        %parallel_loop3A_633 = arith.addf %parallel_loop3A_617, %parallel_loop3A_631 : vector<16xf32>
        %parallel_loop3A_634 = arith.constant 5 : i32
        %parallel_loop3A_635 = arith.index_cast %rem3A_535 : i32 to index
        %parallel_loop3A_636 = arith.index_cast %parallel_loop3A_634 : i32 to index
        %parallel_loop3A_637 = arith.index_cast %parallel_loop3A_550 : i32 to index
        %parallel_loop3A_638 = arith.index_cast %parallel_loop3A_555 : i32 to index
        %parallel_loop3A_639 = tpu.vector_load %arg6[%parallel_loop3A_635, %parallel_loop3A_636, %parallel_loop3A_637, %parallel_loop3A_638] {strides = array<i32>} : memref<3x7x8x512xi32, #tpu.memory_space<vmem>>, vector<1x1x1x16xi32>,
        %parallel_loop3A_640 = vector.shape_cast %parallel_loop3A_639 : vector<1x1x1x16xi32> to vector<16xi32>
        %parallel_loop3A_641 = arith.constant 16 : i32
        %parallel_loop3A_642 = vector.broadcast %parallel_loop3A_641 : i32 to vector<16xi32>
        %parallel_loop3A_643 = arith.shli %parallel_loop3A_640, %parallel_loop3A_642 : vector<16xi32>
        %parallel_loop3A_644 = tpu.bitcast %parallel_loop3A_643 : vector<16xi32> -> vector<16xf32>
        %parallel_loop3A_645 = vector.broadcast %parallel_loop3A_539 : i32 to vector<16xi32>
        %parallel_loop3A_646 = arith.andi %parallel_loop3A_640, %parallel_loop3A_645 : vector<16xi32>
        %parallel_loop3A_647 = tpu.bitcast %parallel_loop3A_646 : vector<16xi32> -> vector<16xf32>
        %parallel_loop3A_648 = arith.addf %parallel_loop3A_632, %parallel_loop3A_644 : vector<16xf32>
        %parallel_loop3A_649 = arith.addf %parallel_loop3A_633, %parallel_loop3A_647 : vector<16xf32>
        %parallel_loop3A_650 = arith.constant 6 : i32
        %parallel_loop3A_651 = arith.index_cast %rem3A_535 : i32 to index
        %parallel_loop3A_652 = arith.index_cast %parallel_loop3A_650 : i32 to index
        %parallel_loop3A_653 = arith.index_cast %parallel_loop3A_550 : i32 to index
        %parallel_loop3A_654 = arith.index_cast %parallel_loop3A_555 : i32 to index
        %parallel_loop3A_655 = tpu.vector_load %arg6[%parallel_loop3A_651, %parallel_loop3A_652, %parallel_loop3A_653, %parallel_loop3A_654] {strides = array<i32>} : memref<3x7x8x512xi32, #tpu.memory_space<vmem>>, vector<1x1x1x16xi32>,
        %parallel_loop3A_656 = vector.shape_cast %parallel_loop3A_655 : vector<1x1x1x16xi32> to vector<16xi32>
        %parallel_loop3A_657 = arith.constant 16 : i32
        %parallel_loop3A_658 = vector.broadcast %parallel_loop3A_657 : i32 to vector<16xi32>
        %parallel_loop3A_659 = arith.shli %parallel_loop3A_656, %parallel_loop3A_658 : vector<16xi32>
        %parallel_loop3A_660 = tpu.bitcast %parallel_loop3A_659 : vector<16xi32> -> vector<16xf32>
        %parallel_loop3A_661 = vector.broadcast %parallel_loop3A_539 : i32 to vector<16xi32>
        %parallel_loop3A_662 = arith.andi %parallel_loop3A_656, %parallel_loop3A_661 : vector<16xi32>
        %parallel_loop3A_663 = tpu.bitcast %parallel_loop3A_662 : vector<16xi32> -> vector<16xf32>
        %parallel_loop3A_664 = arith.addf %parallel_loop3A_648, %parallel_loop3A_660 : vector<16xf32>
        %parallel_loop3A_665 = arith.addf %parallel_loop3A_649, %parallel_loop3A_663 : vector<16xf32>
        %parallel_loop3A_666 = arith.index_cast %parallel_loop3A_550 : i32 to index
        %parallel_loop3A_667 = arith.index_cast %parallel_loop3A_555 : i32 to index
        %parallel_loop3A_668 = tpu.vector_load %arg8[%parallel_loop3A_666, %parallel_loop3A_667] {strides = array<i32>} : memref<8x1024xf32, #tpu.memory_space<vmem>>, vector<1x16xf32>,
        %parallel_loop3A_669 = vector.shape_cast %parallel_loop3A_668 : vector<1x16xf32> to vector<16xf32>
        %parallel_loop3A_670 = vector.shape_cast %parallel_loop3A_664 : vector<16xf32> to vector<1x16xf32>
        tpu.vector_store %arg8[%parallel_loop3A_666, %parallel_loop3A_667], %parallel_loop3A_670 {strides = array<i32>} : memref<8x1024xf32, #tpu.memory_space<vmem>>, vector<1x16xf32>,
        %parallel_loop3A_671 = arith.constant 512 : i32
        %parallel_loop3A_672 = arith.addi %parallel_loop3A_555, %parallel_loop3A_671 : i32
        %parallel_loop3A_673 = arith.index_cast %parallel_loop3A_550 : i32 to index
        %parallel_loop3A_674 = arith.index_cast %parallel_loop3A_672 : i32 to index
        %parallel_loop3A_675 = tpu.vector_load %arg8[%parallel_loop3A_673, %parallel_loop3A_674] {strides = array<i32>} : memref<8x1024xf32, #tpu.memory_space<vmem>>, vector<1x16xf32>,
        %parallel_loop3A_676 = vector.shape_cast %parallel_loop3A_675 : vector<1x16xf32> to vector<16xf32>
        %parallel_loop3A_677 = vector.shape_cast %parallel_loop3A_665 : vector<16xf32> to vector<1x16xf32>
        tpu.vector_store %arg8[%parallel_loop3A_673, %parallel_loop3A_674], %parallel_loop3A_677 {strides = array<i32>} : memref<8x1024xf32, #tpu.memory_space<vmem>>, vector<1x16xf32>,
      } {sc.loop_unroll_factor = 4 : i64, sc.parallel_access}
      %mul3A_540 = arith.constant 8 : i32
      %mul3A_541 = arith.muli %add3A_402, %mul3A_540 : i32
      %add3A_542 = arith.addi %mul3A_2, %mul3A_541 : i32
      %dma_start3A_543 = arith.constant 0 : i32
      %dma_start3A_544 = tpu.memref_slice %arg4[%add3A_542, %dma_start3A_543] : memref<16384x1024xf32, #tpu.memory_space<hbm>> -> memref<8x1024xf32, #tpu.memory_space<hbm>>
      %dma_start3A_545 = arith.constant 0 : i32
      %dma_start3A_546 = tpu.memref_slice %arg4[%add3A_542, %dma_start3A_545] : memref<16384x1024xf32, #tpu.memory_space<hbm>> -> memref<8x1024xf32, #tpu.memory_space<hbm>>
      tpu.enqueue_dma source(%arg8 : memref<8x1024xf32, #tpu.memory_space<vmem>>) target(%dma_start3A_546 : memref<8x1024xf32, #tpu.memory_space<hbm>>) target_semaphore(%arg11 : memref<!tpu.dma_semaphore, #tpu.memory_space<semaphore_mem>>)
      %scan3A_547 = arith.constant 0 : i32
      scf.yield %scan3A_547 : i32
    }
    %scan3A_244 = arith.constant 32 : i32
    %add3A_245 = arith.constant 496 : i32
    %add3A_246 = arith.addi %mul3A_2, %add3A_245 : i32
    %dma_wait3A = arith.constant 0 : i32
    %dma_wait3A_247 = tpu.memref_slice %arg4[%add3A_246, %dma_wait3A] : memref<16384x1024xf32, #tpu.memory_space<hbm>> -> memref<8x1024xf32, #tpu.memory_space<hbm>>
    %dma_wait3A_248 = arith.constant 0 : i32
    %dma_wait3A_249 = tpu.memref_slice %arg4[%add3A_246, %dma_wait3A_248] : memref<16384x1024xf32, #tpu.memory_space<hbm>> -> memref<8x1024xf32, #tpu.memory_space<hbm>>
    tpu.wait_dma2 semaphore(%arg10 : memref<!tpu.dma_semaphore, #tpu.memory_space<semaphore_mem>>) src(%arg7 : memref<8x1024xf32, #tpu.memory_space<vmem>>) dst(%dma_wait3A_249 : memref<8x1024xf32, #tpu.memory_space<hbm>>)
    %add3A_250 = arith.constant 504 : i32
    %add3A_251 = arith.addi %mul3A_2, %add3A_250 : i32
    %dma_wait3A_252 = arith.constant 0 : i32
    %dma_wait3A_253 = tpu.memref_slice %arg4[%add3A_251, %dma_wait3A_252] : memref<16384x1024xf32, #tpu.memory_space<hbm>> -> memref<8x1024xf32, #tpu.memory_space<hbm>>
    %dma_wait3A_254 = arith.constant 0 : i32
    %dma_wait3A_255 = tpu.memref_slice %arg4[%add3A_251, %dma_wait3A_254] : memref<16384x1024xf32, #tpu.memory_space<hbm>> -> memref<8x1024xf32, #tpu.memory_space<hbm>>
    tpu.wait_dma2 semaphore(%arg11 : memref<!tpu.dma_semaphore, #tpu.memory_space<semaphore_mem>>) src(%arg8 : memref<8x1024xf32, #tpu.memory_space<vmem>>) dst(%dma_wait3A_255 : memref<8x1024xf32, #tpu.memory_space<hbm>>)
    return
  }
}

</mosaic_0001>

<sc_bundles>
// kernel: kernel.3.cloned.1.call-start
scs
__scs_entry_jumppad:
0x0: {  	(pc) =	sbr.rel $0x88, $3  }
0x1: {  	(tag) =	ssettag $0x0;
	lr =	simm.s32 $0x1  }
0x2: {  	[smem:$0x3F9F] =	sst lr;
	_ =	strace $0xD0000000  }
0x3: {  	_ = 	snop  }
0x4: {  	_ = 	snop  }
0x5: {  	_ = 	snop  }
0x6: {  	_ = 	snop  }
0x7: {  	_ = 	snop  }
__scs_overlays_trampoline_lowered:
0x8: {  	[smem:$0x3FAE] =	sst s0  }
0x9: {  	[smem:$0x3FAF] =	sst s1  }
0xa: {  	[smem:$0x3FB0] =	sst s2  }
0xb: {  	[smem:$0x3FB1] =	sst s3  }
0xc: {  	[smem:$0x3FB2] =	sst s4  }
0xd: {  	[smem:$0x3FB3] =	sst s5  }
0xe: {  	[smem:$0x3FB4] =	sst s6  }
0xf: {  	[smem:$0x3FB5] =	sst s7  }
0x10: {  	[smem:$0x3FB6] =	sst s8  }
0x11: {  	[smem:$0x3FB7] =	sst s9;
	s0 =	simm.s32 @!p0 $0x0  }
0x12: {  	s1 =	sld [smem:$0x3F9D];
	s0 =	simm.s32 @p0 $0x1  }
0x13: {  	[smem:$0x3FB8] =	sst s0;
	s0 =	simm.s32 @!p1 $0x0  }
0x14: {  	s2 =	sld [smem:$0x3F9C];
	s0 =	simm.s32 @p1 $0x1  }
0x15: {  	[smem:$0x3FB9] =	sst s0;
	s0 =	simm.s32 @!p2 $0x0  }
0x16: {  	s3 =	sld [smem:$0x3FDB];
	s0 =	simm.s32 @p2 $0x1  }
0x17: {  	s4 =	simm.s32 $0x1BF5;
	[smem:$0x3FBB] =	sst s0  }
0x18: {  	s0 =	sld [smem:$0x3F9E];
	_ =	swait.ge [sflag:s4], $0x0  }
0x19: {  	s7 =	sld [smem:$0x3F9F]  }
0x1a: {  	s8 =	sadd.s32 $0xFFFFE003, lr  }
0x1b: {  	s9 =	sadd.s32 $0xFFFFFEF7, lr;
	s5 =	simm.s32 $0xFFFFFFFF;
	p2 =	slt.u32 s8, $0xFFFFF086  }
0x1c: {  	p1 =	slt.u32 s9, $0xF7A;
	s5 =	simm.s32 @!p2 $0x0  }
0x1d: {  	s5 =	simm.s32 @p1 $0x1;
	p0 =	seq.s32 s7, s2  }
0x1e: {  	s7 =	smul.u32 @!p0 $0xF7A, s2;
	p2 =	seq.s32 @!p0 s5, $0x0  }
0x1f: {  	s9 =	smul.u32 $0xF7A, s1;
	s8 =	simm.s32 @!p0 $0x1BF5;
	p2 =	por !p2, p0  }
0x20: {  	[sflag:s8] =	ssyncset.s32 @!p0 $0xFFFFF086;
	s6 =	sadd.s32 @!p0 s3, s7;
	s7 =	simm.s32 @!p0 $0x108  }
0x21: {  	s3 =	sadd.s32 s3, s9;
	s6 =	sadd.s32 @!p0 $0x88, s6;
	s7 =	simm.s32 @p2 $0x1082  }
0x22: {  	[simem:s7], [sflag:s8] =	dma.local @!p0 [hbm:s6], $0xF7A  }
0x23: {  	s9 =	sor.u32 $0xD0000000, s2;
	s6 =	simm.s32 $0x108;
	_ =	swait.ge @!p0 [sflag:s8], $0x0  }
0x24: {  	s3 =	sadd.s32 $0x88, s3;
	s6 =	simm.s32 @!p1 $0x1082;
	[sflag:s4] =	ssyncset.s32 $0xFFFFF086  }
0x25: {  	[simem:s6], [sflag:s4] =	dma.local [hbm:s3], $0xF7A  }
0x26: {  	[smem:$0x3F9F] =	sst s1;
	(tag) =	ssettag s2;
	_ =	strace s9  }
0x27: {  	s1 =	sld [smem:$0x3FAF]  }
0x28: {  	s2 =	sld [smem:$0x3FB0]  }
0x29: {  	s4 =	sld [smem:$0x3FB2]  }
0x2a: {  	p0 =	seq.s32 s5, $0x0;
	s5 =	sld [smem:$0x3FB3]  }
0x2b: {  	s6 =	sld [smem:$0x3FB4]  }
0x2c: {  	s7 =	sld [smem:$0x3FB5]  }
0x2d: {  	s3 =	simm.s32 $0x108;
	s8 =	sld [smem:$0x3FB6]  }
0x2e: {  	s3 =	simm.s32 @!p0 $0x1082;
	s9 =	sld [smem:$0x3FB7]  }
0x2f: {  	lr =	sadd.s32 s0, s3;
	s0 =	sld [smem:$0x3FAE]  }
0x30: {  	s3 =	sld [smem:$0x3FB1]  }
0x31: {  	[smem:$0x3FBA] =	sst s10  }
0x32: {  	s10 =	sld [smem:$0x3FB8];
	_ =	sdelay $0x3  }
0x33: {  	p0 =	seq.s32 s10, $0x1;
	s10 =	sld [smem:$0x3FBA];
	_ =	sdelay $0x3  }
0x34: {  	[smem:$0x3FBA] =	sst s10  }
0x35: {  	s10 =	sld [smem:$0x3FB9];
	_ =	sdelay $0x3  }
0x36: {  	p1 =	seq.s32 s10, $0x1;
	s10 =	sld [smem:$0x3FBA];
	_ =	sdelay $0x3  }
0x37: {  	[smem:$0x3FBA] =	sst s10  }
0x38: {  	s10 =	sld [smem:$0x3FBB]  }
0x39: {  	_ = 	snop;
	(pc) =	sbr.ind lr, $3  }
0x3a: {  	_ = 	snop  }
0x3b: {  	_ = 	snop  }
0x3c: {  	p2 =	seq.s32 s10, $0x1;
	s10 =	sld [smem:$0x3FBA]  }
0x3d: {  	_ =	shalt  }
0x3e: {  	_ =	shalt  }
0x3f: {  	_ =	shalt  }
0x40: {  	_ =	shalt  }
0x41: {  	_ =	shalt  }
0x42: {  	_ =	shalt  }
0x43: {  	_ =	shalt  }
0x44: {  	_ =	shalt  }
0x45: {  	_ =	shalt  }
0x46: {  	_ =	shalt  }
0x47: {  	_ =	shalt  }
0x48: {  	_ =	shalt  }
0x49: {  	_ =	shalt  }
0x4a: {  	_ =	shalt  }
0x4b: {  	_ =	shalt  }
0x4c: {  	_ =	shalt  }
0x4d: {  	_ =	shalt  }
0x4e: {  	_ =	shalt  }
0x4f: {  	_ =	shalt  }
0x50: {  	_ =	shalt  }
0x51: {  	_ =	shalt  }
0x52: {  	_ =	shalt  }
0x53: {  	_ =	shalt  }
0x54: {  	_ =	shalt  }
0x55: {  	_ =	shalt  }
0x56: {  	_ =	shalt  }
0x57: {  	_ =	shalt  }
0x58: {  	_ =	shalt  }
0x59: {  	_ =	shalt  }
0x5a: {  	_ =	shalt  }
0x5b: {  	_ =	shalt  }
0x5c: {  	_ =	shalt  }
0x5d: {  	_ =	shalt  }
0x5e: {  	_ =	shalt  }
0x5f: {  	_ =	shalt  }
0x60: {  	_ =	shalt  }
0x61: {  	_ =	shalt  }
0x62: {  	_ =	shalt  }
0x63: {  	_ =	shalt  }
0x64: {  	_ =	shalt  }
0x65: {  	_ =	shalt  }
0x66: {  	_ =	shalt  }
0x67: {  	_ =	shalt  }
0x68: {  	_ =	shalt  }
0x69: {  	_ =	shalt  }
0x6a: {  	_ =	shalt  }
0x6b: {  	_ =	shalt  }
0x6c: {  	_ =	shalt  }
0x6d: {  	_ =	shalt  }
0x6e: {  	_ =	shalt  }
0x6f: {  	_ =	shalt  }
0x70: {  	_ =	shalt  }
0x71: {  	_ =	shalt  }
0x72: {  	_ =	shalt  }
0x73: {  	_ =	shalt  }
0x74: {  	_ =	shalt  }
0x75: {  	_ =	shalt  }
0x76: {  	_ =	shalt  }
0x77: {  	_ =	shalt  }
0x78: {  	_ =	shalt  }
0x79: {  	_ =	shalt  }
0x7a: {  	_ =	shalt  }
0x7b: {  	_ =	shalt  }
0x7c: {  	_ =	shalt  }
0x7d: {  	_ =	shalt  }
0x7e: {  	_ =	shalt  }
0x7f: {  	_ =	shalt  }
0x80: {  	_ =	shalt  }
0x81: {  	_ =	shalt  }
0x82: {  	_ =	shalt  }
0x83: {  	_ =	shalt  }
0x84: {  	_ =	shalt  }
0x85: {  	_ =	shalt  }
0x86: {  	_ =	shalt  }
0x87: {  	_ =	shalt  }
.Lfunc_end0:
.L_simem_size_0:
called_computation_lowered:
.L_overlay_start_0:
0x88: {  	s2 =	sld [smem:$0x3FD9]  }
0x89: {  	s3 =	sld [smem:$0x3FFE];
	_ =	sdelay $0x1  }
0x8a: {  	s1 =	srdreg.scid  }
0x8b: {  	s0 =	sand.u32 $0x1, s1  }
0x8c: {  	s17 =	sshll.u32 s0, $0xA;
	s2 =	sadd.s32 s3, s2  }
0x8d: {  	s2 =	sadd.s32 s2, s17  }
0x8e: {  	[smem:$0x3FC6] =	sst s2  }
0x8f: {  	_ = 	snop  }
0x90: {  	s2 =	sld [smem:$0x3FD0];
	(tm) =	ssettm $0x1  }
0x91: {  	s18 =	sld [smem:$0x3FFB];
	_ =	sdelay $0x3  }
0x92: {  	_ =	strace s18  }
0x93: {  	s3 =	sld [smem:$0x3FFC];
	_ =	sdelay $0x3  }
0x94: {  	_ =	strace s3  }
0x95: {  	s3 =	sld [smem:$0x3FFD];
	_ =	sdelay $0x3  }
0x96: {  	_ =	strace s3  }
0x97: {  	_ =	strace $0x8FFFFFFF  }
0x98: {  	s19 =	sld [smem:$0x3FDB];
	_ =	sdelay $0x1  }
0x99: {  	s4 =	simm.s32 $_scs_section_size  }
0x9a: {  	s5 =	simm.s32 $_size__tile_overlayer_lowered;
	s6 =	simm.s32 $_tile_overlayer_lowered  }
0x9b: {  	s22 =	simm.s32 $0x1BFF;
	s21 =	sshll.u32 s6, $0x1;
	s3 =	sadd.s32 s4, s19  }
0x9c: {  	s7 =	simm.s32 $0x0;
	s20 =	sshll.u32 s5, $0x1;
	s5 =	sadd.s32 s21, s3  }
0x9d: {  	[timem:s7], [sflag:s22] =	dma.local [hbm:s5], s20  }
0x9e: {  	_ =	swait.ge [sflag:s22], s20  }
0x9f: {  	s4 =	ssub.s32 $0x0, s20;
	[sflag:s22] =	ssyncset.done $0x0  }
0xa0: {  	[sflag:s22] =	ssyncadd.s32 s4;
	_ =	sdelay $0x1  }
0xa1: {  	s23 =	simm.s32 $0x1B8B  }
0xa2: {  	_ =	swait.ge [sflag:s23], $0x1  }
0xa3: {  	[sflag:s23] =	ssyncset.done $0x0  }
0xa4: {  	s25 =	simm.s32 $0x1B8E;
	s24 =	sld [smem:$0x3FFE];
	[sflag:s23] =	ssyncadd.s32 $0xFFFFFFFF  }
0xa5: {  	s26 =	simm.s32 $execute0_lowered;
	[smem:$0x3FD2] =	sst s25  }
0xa6: {  	s5 =	sshll.u32 s26, $0x1;
	_ =	strace $0x80000046;
	[dreg:$0x1] =	wrdreg $0xFFFFFFFF  }
0xa7: {  	s28 =	simm.s32 $_size_execute0_lowered;
	s3 =	sadd.s32 s3, s5;
	[dreg:$0x0] =	wrdreg $0x0  }
0xa8: {  	s5 =	sshll.u32 s28, $0x1;
	[dreg:$0x2] =	wrdreg s3  }
0xa9: {  	[dreg:$0x3] =	wrdreg s5  }
0xaa: {  	[dreg:$0x4] =	wrdreg $0xC0  }
0xab: {  	_ =	task [dreg:s7], $0x5FFFF  }
0xac: {  	[dreg:$0x1] =	wrdreg $0xFFFFFFFF  }
0xad: {  	[dreg:$0x0] =	wrdreg $0x60  }
0xae: {  	[dreg:$0x2] =	wrdreg s24  }
0xaf: {  	[dreg:$0x3] =	wrdreg s2  }
0xb0: {  	[dreg:$0x4] =	wrdreg $0x9  }
0xb1: {  	_ =	task.clear_ibuf [dreg:s7], $0x5FFFF;
	_ =	strace $0x90000046  }
0xb2: {  	s29 =	simm.s32 $0x9;
	_ =	strace $0x80000048  }
0xb3: {  	_ =	swait.ge [sflag:s29], $0x1  }
0xb4: {  	[sflag:s29] =	ssyncadd.s32 $0xFFFFFFFF  }
0xb5: {  	_ =	strace $0x90000048  }
0xb6: {  	_ =	sfence  }
0xb7: {  	s30 =	sld [smem:$0x0];
	_ =	sdelay $0x2  }
0xb8: {  	s31 =	sshll.u32 s1, $0xD;
	s1 =	sshrl.u32 s1, $0x2  }
0xb9: {  	s3 =	sand.u32 $0x4000, s31;
	s1 =	sadd.s32 s1, s30  }
0xba: {  	s0 =	sor.u32 s3, s0;
	s1 =	sshll.u32 s1, $0x11  }
0xbb: {  	s0 =	sor.u32 s1, s0  }
0xbc: {  	s0 =	sadd.s32 $0x8F2B, s0  }
0xbd: {  	[sflag:s0] =	ssyncadd.remote.s32 $0x1  }
0xbe: {  	_ =	sfence.sel $0xFFFF  }
0xbf: {  	[dreg:$0x0] =	wrdreg $0xFFFFFFFF;
	(pc) =	sbr.abs _section_cstart, $3  }
0xc0: {  	[dreg:$0x1] =	wrdreg $0xFFFFFFFF  }
0xc1: {  	_ =	task.clear_ibuf [dreg:s7], $0x2FFFF;
	_ =	strace $0x9FFFFFFF  }
0xc2: {  	(tm) =	ssettm $0x7FFFFFFF  }
0xc3: {  	_ =	shalt  }
tec
execute0_lowered:
.L_overlay_start_1:
0x0: {  	(tag) =	ssettag $0x1  }
0x1: {  	s0 =	rddreg [dreg:$0x0]  }
0x2: {  	s1 =	rddreg [dreg:$0x1]  }
0x3: {  	s3 =	srdreg.scid;
	s2 =	stileid.u32;
	s5 =	simm.s32 $0x0  }
0x4: {  	s3 =	sand.u32 $0x1, s3;
	s4 =	sshll.u32 s2, $0x1;
	[smem:$0x7FF] =	sst s5  }
0x5: {  	s28 =	sadd.s32 $0x600, s0;
	s4 =	sor.u32 s3, s4;
	s3 =	ssub.s32 $0x2, s3  }
0x6: {  	_ =	strace $0x80000047;
	[dreg:$0x19] =	wrdreg s28;
	s26 =	sshll.u32 s4, $0x9  }
0x7: {  	s6 =	sshrl.u32 s3, $0x1;
	s5 =	sadd.s32 s26, s0;
	s0 =	sadd.s32 $0x700, s0  }
0x8: {  	s30 =	sshll.u32 s4, $0x10;
	s29 =	sadd.s32 $0x80800, s5;
	[dreg:$0x1b] =	wrdreg s0  }
0x9: {  	v0 =	vlaneseq.u32;
	s3 =	ssub.s32 s3, s6;
	s0 =	sadd.s32 s1, s30;
	[dreg:$0x1a] =	wrdreg s29  }
0xa: {  	v1 =	vshrl.u32 v0, $0x3;
	s31 =	smax.u32 s3, $0x1;
	[dreg:$0x1c] =	wrdreg s0  }
0xb: {  	vm0 =	vmmov $0xffff;
	v0 =	vand.u32 $0x7, v0;
	s2 =	simm.s32 $0x0;
	v1 =	vmul.u32 $0x8, v1;
	[dreg:$0x1d] =	wrdreg s31  }
.LBB2_1:
0xc: {  	[dreg:$0x1e] =	wrdreg s2  }
0xd: {  	s0 =	simm.s32 $0x0;
	s1 =	rddreg [dreg:$0x1a];
	s30 =	simm.s32 $0x6  }
0xe: {  	[tilespmem:s0], [sflag:$0x6] =	stream.linear.gather [hbm4b:s1+s0], $0x1000, $0x38;
	[tilespmem:$0x1A000] =	vst v63  }
0xf: {  	_ =	swait.ge [sflag:s30], $0x1000  }
0x10: {  	[sflag:s30] =	ssyncset.done $0x0  }
0x11: {  	[sflag:s30] =	ssyncadd.s32 $0xFFFFF000  }
0x12: {  	v2 =	vld.msk [tilespmem:$0x0], $0xff;
	_ =	sdelay $0x4  }
0x13: {  	v3 =	vshll.u32 v2, $0x2  }
0x14: {  	v2 =	vand.u32 $0x7, v2;
	v3 =	vand.u32 $0xFFFFFFE0, v3  }
0x15: {  	v2 =	vor.u32 v2, v3  }
0x16: {  	v2 =	vperm.xlane v2, v0;
	_ =	sdelay $0x1  }
0x17: {  	v2 =	vadd.s32 v1, v2;
	_ =	sdelay $0x3  }
0x18: {  	s3 =	simm.s32 $0x1000;
	s31 =	rddreg [dreg:$0x19]  }
0x19: {  	[tilespmem:s3], [sflag:$0x1] =	stream.indirect_vreg.gather [hbm4b:s31+s0], $0x80, v2, vm0, $0xb8;
	[tilespmem:$0x1A000] =	vst v63  }
0x1a: {  	s4 =	rddreg [dreg:$0x1b];
	s3 =	simm.s32 $0x1800  }
0x1b: {  	[tilespmem:s3], [sflag:$0x1] =	stream.indirect_vreg.gather [hbm4b:s4+s0], $0x80, v2, vm0, $0xb8;
	[tilespmem:$0x1A000] =	vst v63  }
0x1c: {  	v2 =	vld.msk [tilespmem:$0x80], $0xff;
	_ =	sdelay $0x4  }
0x1d: {  	v3 =	vshll.u32 v2, $0x2  }
0x1e: {  	v2 =	vand.u32 $0x7, v2;
	v3 =	vand.u32 $0xFFFFFFE0, v3  }
0x1f: {  	v2 =	vor.u32 v2, v3  }
0x20: {  	v2 =	vperm.xlane v2, v0;
	_ =	sdelay $0x1  }
0x21: {  	v2 =	vadd.s32 v1, v2;
	_ =	sdelay $0x3  }
0x22: {  	s5 =	simm.s32 $0x2000  }
0x23: {  	[tilespmem:s5], [sflag:$0x1] =	stream.indirect_vreg.gather [hbm4b:s31+s0], $0x80, v2, vm0, $0xb8;
	[tilespmem:$0x1A000] =	vst v63  }
0x24: {  	s6 =	simm.s32 $0x2800  }
0x25: {  	[tilespmem:s6], [sflag:$0x1] =	stream.indirect_vreg.gather [hbm4b:s4+s0], $0x80, v2, vm0, $0xb8;
	[tilespmem:$0x1A000] =	vst v63  }
0x26: {  	v2 =	vld.msk [tilespmem:$0x100], $0xff;
	_ =	sdelay $0x4  }
0x27: {  	v3 =	vshll.u32 v2, $0x2  }
0x28: {  	v2 =	vand.u32 $0x7, v2;
	v3 =	vand.u32 $0xFFFFFFE0, v3  }
0x29: {  	v2 =	vor.u32 v2, v3  }
0x2a: {  	v2 =	vperm.xlane v2, v0;
	_ =	sdelay $0x1  }
0x2b: {  	v2 =	vadd.s32 v1, v2;
	_ =	sdelay $0x3  }
0x2c: {  	s7 =	simm.s32 $0x3000  }
0x2d: {  	[tilespmem:s7], [sflag:$0x1] =	stream.indirect_vreg.gather [hbm4b:s31+s0], $0x80, v2, vm0, $0xb8;
	[tilespmem:$0x1A000] =	vst v63  }
0x2e: {  	s8 =	simm.s32 $0x3800  }
0x2f: {  	[tilespmem:s8], [sflag:$0x1] =	stream.indirect_vreg.gather [hbm4b:s4+s0], $0x80, v2, vm0, $0xb8;
	[tilespmem:$0x1A000] =	vst v63  }
0x30: {  	v2 =	vld.msk [tilespmem:$0x180], $0xff;
	_ =	sdelay $0x4  }
0x31: {  	v3 =	vshll.u32 v2, $0x2  }
0x32: {  	v2 =	vand.u32 $0x7, v2;
	v3 =	vand.u32 $0xFFFFFFE0, v3  }
0x33: {  	v2 =	vor.u32 v2, v3  }
0x34: {  	v2 =	vperm.xlane v2, v0;
	_ =	sdelay $0x1  }
0x35: {  	v2 =	vadd.s32 v1, v2;
	_ =	sdelay $0x3  }
0x36: {  	s9 =	simm.s32 $0x4000  }
0x37: {  	[tilespmem:s9], [sflag:$0x1] =	stream.indirect_vreg.gather [hbm4b:s31+s0], $0x80, v2, vm0, $0xb8;
	[tilespmem:$0x1A000] =	vst v63  }
0x38: {  	s10 =	simm.s32 $0x4800  }
0x39: {  	[tilespmem:s10], [sflag:$0x1] =	stream.indirect_vreg.gather [hbm4b:s4+s0], $0x80, v2, vm0, $0xb8;
	[tilespmem:$0x1A000] =	vst v63  }
0x3a: {  	v2 =	vld.msk [tilespmem:$0x200], $0xff;
	_ =	sdelay $0x4  }
0x3b: {  	v3 =	vshll.u32 v2, $0x2  }
0x3c: {  	v2 =	vand.u32 $0x7, v2;
	v3 =	vand.u32 $0xFFFFFFE0, v3  }
0x3d: {  	v2 =	vor.u32 v2, v3  }
0x3e: {  	v2 =	vperm.xlane v2, v0;
	_ =	sdelay $0x1  }
0x3f: {  	v2 =	vadd.s32 v1, v2;
	_ =	sdelay $0x3  }
0x40: {  	s11 =	simm.s32 $0x5000  }
0x41: {  	[tilespmem:s11], [sflag:$0x1] =	stream.indirect_vreg.gather [hbm4b:s31+s0], $0x80, v2, vm0, $0xb8;
	[tilespmem:$0x1A000] =	vst v63  }
0x42: {  	s12 =	simm.s32 $0x5800  }
0x43: {  	[tilespmem:s12], [sflag:$0x1] =	stream.indirect_vreg.gather [hbm4b:s4+s0], $0x80, v2, vm0, $0xb8;
	[tilespmem:$0x1A000] =	vst v63  }
0x44: {  	v2 =	vld.msk [tilespmem:$0x280], $0xff;
	_ =	sdelay $0x4  }
0x45: {  	v3 =	vshll.u32 v2, $0x2  }
0x46: {  	v2 =	vand.u32 $0x7, v2;
	v3 =	vand.u32 $0xFFFFFFE0, v3  }
0x47: {  	v2 =	vor.u32 v2, v3  }
0x48: {  	v2 =	vperm.xlane v2, v0;
	_ =	sdelay $0x1  }
0x49: {  	v2 =	vadd.s32 v1, v2;
	_ =	sdelay $0x3  }
0x4a: {  	s13 =	simm.s32 $0x6000  }
0x4b: {  	[tilespmem:s13], [sflag:$0x1] =	stream.indirect_vreg.gather [hbm4b:s31+s0], $0x80, v2, vm0, $0xb8;
	[tilespmem:$0x1A000] =	vst v63  }
0x4c: {  	s14 =	simm.s32 $0x6800  }
0x4d: {  	[tilespmem:s14], [sflag:$0x1] =	stream.indirect_vreg.gather [hbm4b:s4+s0], $0x80, v2, vm0, $0xb8;
	[tilespmem:$0x1A000] =	vst v63  }
0x4e: {  	v2 =	vld.msk [tilespmem:$0x300], $0xff;
	_ =	sdelay $0x4  }
0x4f: {  	v3 =	vshll.u32 v2, $0x2  }
0x50: {  	v2 =	vand.u32 $0x7, v2;
	v3 =	vand.u32 $0xFFFFFFE0, v3  }
0x51: {  	v2 =	vor.u32 v2, v3  }
0x52: {  	v2 =	vperm.xlane v2, v0;
	_ =	sdelay $0x1  }
0x53: {  	v2 =	vadd.s32 v1, v2;
	_ =	sdelay $0x3  }
0x54: {  	s15 =	simm.s32 $0x7000  }
0x55: {  	[tilespmem:s15], [sflag:$0x1] =	stream.indirect_vreg.gather [hbm4b:s31+s0], $0x80, v2, vm0, $0xb8;
	[tilespmem:$0x1A000] =	vst v63  }
0x56: {  	s16 =	simm.s32 $0x7800  }
0x57: {  	[tilespmem:s16], [sflag:$0x1] =	stream.indirect_vreg.gather [hbm4b:s4+s0], $0x80, v2, vm0, $0xb8;
	[tilespmem:$0x1A000] =	vst v63  }
0x58: {  	v2 =	vld.msk [tilespmem:$0x8], $0xff;
	_ =	sdelay $0x4  }
0x59: {  	v3 =	vshll.u32 v2, $0x2  }
0x5a: {  	v2 =	vand.u32 $0x7, v2;
	v3 =	vand.u32 $0xFFFFFFE0, v3  }
0x5b: {  	v2 =	vor.u32 v2, v3  }
0x5c: {  	v2 =	vperm.xlane v2, v0;
	_ =	sdelay $0x1  }
0x5d: {  	v2 =	vadd.s32 v1, v2;
	_ =	sdelay $0x3  }
0x5e: {  	s17 =	simm.s32 $0x8000  }
0x5f: {  	[tilespmem:s17], [sflag:$0x2] =	stream.indirect_vreg.gather [hbm4b:s31+s0], $0x80, v2, vm0, $0xb8;
	[tilespmem:$0x1A000] =	vst v63  }
0x60: {  	s18 =	simm.s32 $0x8800  }
0x61: {  	[tilespmem:s18], [sflag:$0x2] =	stream.indirect_vreg.gather [hbm4b:s4+s0], $0x80, v2, vm0, $0xb8;
	[tilespmem:$0x1A000] =	vst v63  }
0x62: {  	v2 =	vld.msk [tilespmem:$0x88], $0xff;
	_ =	sdelay $0x4  }
0x63: {  	v3 =	vshll.u32 v2, $0x2  }
0x64: {  	v2 =	vand.u32 $0x7, v2;
	v3 =	vand.u32 $0xFFFFFFE0, v3  }
0x65: {  	v2 =	vor.u32 v2, v3  }
0x66: {  	v2 =	vperm.xlane v2, v0;
	_ =	sdelay $0x1  }
0x67: {  	v2 =	vadd.s32 v1, v2;
	_ =	sdelay $0x3  }
0x68: {  	s19 =	simm.s32 $0x9000  }
0x69: {  	[tilespmem:s19], [sflag:$0x2] =	stream.indirect_vreg.gather [hbm4b:s31+s0], $0x80, v2, vm0, $0xb8;
	[tilespmem:$0x1A000] =	vst v63  }
0x6a: {  	s20 =	simm.s32 $0x9800  }
0x6b: {  	[tilespmem:s20], [sflag:$0x2] =	stream.indirect_vreg.gather [hbm4b:s4+s0], $0x80, v2, vm0, $0xb8;
	[tilespmem:$0x1A000] =	vst v63  }
0x6c: {  	v2 =	vld.msk [tilespmem:$0x108], $0xff;
	_ =	sdelay $0x4  }
0x6d: {  	v3 =	vshll.u32 v2, $0x2  }
0x6e: {  	v2 =	vand.u32 $0x7, v2;
	v3 =	vand.u32 $0xFFFFFFE0, v3  }
0x6f: {  	v2 =	vor.u32 v2, v3  }
0x70: {  	v2 =	vperm.xlane v2, v0;
	_ =	sdelay $0x1  }
0x71: {  	v2 =	vadd.s32 v1, v2;
	_ =	sdelay $0x3  }
0x72: {  	s21 =	simm.s32 $0xA000  }
0x73: {  	[tilespmem:s21], [sflag:$0x2] =	stream.indirect_vreg.gather [hbm4b:s31+s0], $0x80, v2, vm0, $0xb8;
	[tilespmem:$0x1A000] =	vst v63  }
0x74: {  	s22 =	simm.s32 $0xA800  }
0x75: {  	[tilespmem:s22], [sflag:$0x2] =	stream.indirect_vreg.gather [hbm4b:s4+s0], $0x80, v2, vm0, $0xb8;
	[tilespmem:$0x1A000] =	vst v63  }
0x76: {  	v2 =	vld.msk [tilespmem:$0x188], $0xff;
	_ =	sdelay $0x4  }
0x77: {  	v3 =	vshll.u32 v2, $0x2  }
0x78: {  	v2 =	vand.u32 $0x7, v2;
	v3 =	vand.u32 $0xFFFFFFE0, v3  }
0x79: {  	v2 =	vor.u32 v2, v3  }
0x7a: {  	v2 =	vperm.xlane v2, v0;
	_ =	sdelay $0x1  }
0x7b: {  	v2 =	vadd.s32 v1, v2;
	_ =	sdelay $0x3  }
0x7c: {  	s23 =	simm.s32 $0xB000  }
0x7d: {  	[tilespmem:s23], [sflag:$0x2] =	stream.indirect_vreg.gather [hbm4b:s31+s0], $0x80, v2, vm0, $0xb8;
	[tilespmem:$0x1A000] =	vst v63  }
0x7e: {  	s24 =	simm.s32 $0xB800  }
0x7f: {  	[tilespmem:s24], [sflag:$0x2] =	stream.indirect_vreg.gather [hbm4b:s4+s0], $0x80, v2, vm0, $0xb8;
	[tilespmem:$0x1A000] =	vst v63  }
0x80: {  	v2 =	vld.msk [tilespmem:$0x208], $0xff;
	_ =	sdelay $0x4  }
0x81: {  	v3 =	vshll.u32 v2, $0x2  }
0x82: {  	v2 =	vand.u32 $0x7, v2;
	v3 =	vand.u32 $0xFFFFFFE0, v3  }
0x83: {  	v2 =	vor.u32 v2, v3  }
0x84: {  	v2 =	vperm.xlane v2, v0;
	_ =	sdelay $0x1  }
0x85: {  	v2 =	vadd.s32 v1, v2;
	_ =	sdelay $0x3  }
0x86: {  	s25 =	simm.s32 $0xC000  }
0x87: {  	[tilespmem:s25], [sflag:$0x2] =	stream.indirect_vreg.gather [hbm4b:s31+s0], $0x80, v2, vm0, $0xb8;
	[tilespmem:$0x1A000] =	vst v63  }
0x88: {  	s26 =	simm.s32 $0xC800  }
0x89: {  	[tilespmem:s26], [sflag:$0x2] =	stream.indirect_vreg.gather [hbm4b:s4+s0], $0x80, v2, vm0, $0xb8;
	[tilespmem:$0x1A000] =	vst v63  }
0x8a: {  	v2 =	vld.msk [tilespmem:$0x288], $0xff;
	_ =	sdelay $0x4  }
0x8b: {  	v3 =	vshll.u32 v2, $0x2  }
0x8c: {  	v2 =	vand.u32 $0x7, v2;
	v3 =	vand.u32 $0xFFFFFFE0, v3  }
0x8d: {  	v2 =	vor.u32 v2, v3  }
0x8e: {  	v2 =	vperm.xlane v2, v0;
	_ =	sdelay $0x1  }
0x8f: {  	v2 =	vadd.s32 v1, v2;
	_ =	sdelay $0x3  }
0x90: {  	s28 =	simm.s32 $0xD000  }
0x91: {  	[tilespmem:s28], [sflag:$0x2] =	stream.indirect_vreg.gather [hbm4b:s31+s0], $0x80, v2, vm0, $0xb8;
	[tilespmem:$0x1A000] =	vst v63  }
0x92: {  	s29 =	simm.s32 $0xD800  }
0x93: {  	[tilespmem:s29], [sflag:$0x2] =	stream.indirect_vreg.gather [hbm4b:s4+s0], $0x80, v2, vm0, $0xb8;
	[tilespmem:$0x1A000] =	vst v63  }
0x94: {  	v2 =	vld.msk [tilespmem:$0x308], $0xff;
	_ =	sdelay $0x4  }
0x95: {  	v3 =	vshll.u32 v2, $0x2  }
0x96: {  	v2 =	vand.u32 $0x7, v2;
	v3 =	vand.u32 $0xFFFFFFE0, v3  }
0x97: {  	v2 =	vor.u32 v2, v3  }
0x98: {  	v2 =	vperm.xlane v2, v0;
	_ =	sdelay $0x1  }
0x99: {  	v2 =	vadd.s32 v1, v2;
	_ =	sdelay $0x3  }
0x9a: {  	s30 =	simm.s32 $0xE000  }
0x9b: {  	[tilespmem:s30], [sflag:$0x2] =	stream.indirect_vreg.gather [hbm4b:s31+s0], $0x80, v2, vm0, $0xb8;
	[tilespmem:$0x1A000] =	vst v63  }
0x9c: {  	s7 =	simm.s32 $0x0;
	s31 =	simm.s32 $0xE800  }
0x9d: {  	[tilespmem:s31], [sflag:$0x2] =	stream.indirect_vreg.gather [hbm4b:s4+s0], $0x80, v2, vm0, $0xb8;
	[tilespmem:$0x1A000] =	vst v63  }
.LBB2_2:
0x9e: {  	p1 =	seq.s32 s7, $0x1F  }
.Ltmp0:
0x9f: {  	_ = 	snop;
	(pc) =	sbr.rel @p1 .LBB2_4-.Ltmp0, $2  }
0xa0: {  	_ =	sdelay $0x2  }
0xa1: {  	s8 =	sshll.u32 s7, $0x1  }
0xa2: {  	s1 =	sadd.s32 $0x2, s8  }
0xa3: {  	s0 =	sshll.u32 s1, $0x3;
	s3 =	sshll.u32 s1, $0x6  }
0xa4: {  	s0 =	sand.u32 $0x70, s0;
	s3 =	sand.u32 $0x1C00, s3  }
0xa5: {  	s0 =	sor.u32 s0, s3  }
0xa6: {  	v2 =	vld.msk [tilespmem:s0+$0x0], $0xff;
	_ =	sdelay $0x2  }
0xa7: {  	s12 =	smul.u32 $0xAB, s1;
	_ =	sdelay $0x1  }
0xa8: {  	s3 =	sshrl.u32 s12, $0x9;
	v3 =	vshll.u32 v2, $0x2  }
0xa9: {  	s3 =	sand.u32 $0x7F, s3;
	v2 =	vand.u32 $0x7, v2;
	v3 =	vand.u32 $0xFFFFFFE0, v3  }
0xaa: {  	s3 =	smul.u32 $0x3, s3;
	v2 =	vor.u32 v2, v3  }
0xab: {  	v2 =	vperm.xlane v2, v0  }
0xac: {  	s1 =	ssub.s32 s1, s3  }
0xad: {  	s3 =	sand.u32 $0xFF, s1;
	v2 =	vadd.s32 v1, v2  }
0xae: {  	s1 =	smul.u32 $0x1C000, s3;
	_ =	sdelay $0x1  }
0xaf: {  	s2 =	simm.s32 $0x0;
	s1 =	sshrl.u32 s1, $0x2  }
0xb0: {  	s5 =	rddreg [dreg:$0x19];
	s3 =	sadd.s32 $0x1, s3;
	s4 =	sadd.s32 $0x1000, s1  }
0xb1: {  	[tilespmem:s4], [sflag:s3] =	stream.indirect_vreg.gather [hbm4b:s5+s2], $0x80, v2, vm0, $0xb8;
	[tilespmem:$0x1A000] =	vst v63  }
0xb2: {  	s6 =	rddreg [dreg:$0x1b];
	s14 =	sor.u32 $0x80, s0;
	s13 =	sadd.s32 $0x1800, s1  }
0xb3: {  	[tilespmem:s13], [sflag:s3] =	stream.indirect_vreg.gather [hbm4b:s6+s2], $0x80, v2, vm0, $0xb8;
	[tilespmem:$0x1A000] =	vst v63  }
0xb4: {  	v2 =	vld.msk [tilespmem:s14+$0x0], $0xff;
	_ =	sdelay $0x4  }
0xb5: {  	v3 =	vshll.u32 v2, $0x2  }
0xb6: {  	v2 =	vand.u32 $0x7, v2;
	v3 =	vand.u32 $0xFFFFFFE0, v3  }
0xb7: {  	v2 =	vor.u32 v2, v3  }
0xb8: {  	v2 =	vperm.xlane v2, v0;
	_ =	sdelay $0x1  }
0xb9: {  	v2 =	vadd.s32 v1, v2;
	_ =	sdelay $0x3  }
0xba: {  	s15 =	sadd.s32 $0x2000, s1  }
0xbb: {  	[tilespmem:s15], [sflag:s3] =	stream.indirect_vreg.gather [hbm4b:s5+s2], $0x80, v2, vm0, $0xb8;
	[tilespmem:$0x1A000] =	vst v63  }
0xbc: {  	s17 =	sor.u32 $0x100, s0;
	s16 =	sadd.s32 $0x2800, s1  }
0xbd: {  	[tilespmem:s16], [sflag:s3] =	stream.indirect_vreg.gather [hbm4b:s6+s2], $0x80, v2, vm0, $0xb8;
	[tilespmem:$0x1A000] =	vst v63  }
0xbe: {  	v2 =	vld.msk [tilespmem:s17+$0x0], $0xff;
	_ =	sdelay $0x4  }
0xbf: {  	v3 =	vshll.u32 v2, $0x2  }
0xc0: {  	v2 =	vand.u32 $0x7, v2;
	v3 =	vand.u32 $0xFFFFFFE0, v3  }
0xc1: {  	v2 =	vor.u32 v2, v3  }
0xc2: {  	v2 =	vperm.xlane v2, v0;
	_ =	sdelay $0x1  }
0xc3: {  	v2 =	vadd.s32 v1, v2;
	_ =	sdelay $0x3  }
0xc4: {  	s18 =	sadd.s32 $0x3000, s1  }
0xc5: {  	[tilespmem:s18], [sflag:s3] =	stream.indirect_vreg.gather [hbm4b:s5+s2], $0x80, v2, vm0, $0xb8;
	[tilespmem:$0x1A000] =	vst v63  }
0xc6: {  	s20 =	sor.u32 $0x180, s0;
	s19 =	sadd.s32 $0x3800, s1  }
0xc7: {  	[tilespmem:s19], [sflag:s3] =	stream.indirect_vreg.gather [hbm4b:s6+s2], $0x80, v2, vm0, $0xb8;
	[tilespmem:$0x1A000] =	vst v63  }
0xc8: {  	v2 =	vld.msk [tilespmem:s20+$0x0], $0xff;
	_ =	sdelay $0x4  }
0xc9: {  	v3 =	vshll.u32 v2, $0x2  }
0xca: {  	v2 =	vand.u32 $0x7, v2;
	v3 =	vand.u32 $0xFFFFFFE0, v3  }
0xcb: {  	v2 =	vor.u32 v2, v3  }
0xcc: {  	v2 =	vperm.xlane v2, v0;
	_ =	sdelay $0x1  }
0xcd: {  	v2 =	vadd.s32 v1, v2;
	_ =	sdelay $0x3  }
0xce: {  	s21 =	sadd.s32 $0x4000, s1  }
0xcf: {  	[tilespmem:s21], [sflag:s3] =	stream.indirect_vreg.gather [hbm4b:s5+s2], $0x80, v2, vm0, $0xb8;
	[tilespmem:$0x1A000] =	vst v63  }
0xd0: {  	s23 =	sor.u32 $0x200, s0;
	s22 =	sadd.s32 $0x4800, s1  }
0xd1: {  	[tilespmem:s22], [sflag:s3] =	stream.indirect_vreg.gather [hbm4b:s6+s2], $0x80, v2, vm0, $0xb8;
	[tilespmem:$0x1A000] =	vst v63  }
0xd2: {  	v2 =	vld.msk [tilespmem:s23+$0x0], $0xff;
	_ =	sdelay $0x4  }
0xd3: {  	v3 =	vshll.u32 v2, $0x2  }
0xd4: {  	v2 =	vand.u32 $0x7, v2;
	v3 =	vand.u32 $0xFFFFFFE0, v3  }
0xd5: {  	v2 =	vor.u32 v2, v3  }
0xd6: {  	v2 =	vperm.xlane v2, v0;
	_ =	sdelay $0x1  }
0xd7: {  	v2 =	vadd.s32 v1, v2;
	_ =	sdelay $0x3  }
0xd8: {  	s24 =	sadd.s32 $0x5000, s1  }
0xd9: {  	[tilespmem:s24], [sflag:s3] =	stream.indirect_vreg.gather [hbm4b:s5+s2], $0x80, v2, vm0, $0xb8;
	[tilespmem:$0x1A000] =	vst v63  }
0xda: {  	s26 =	sor.u32 $0x280, s0;
	s25 =	sadd.s32 $0x5800, s1  }
0xdb: {  	[tilespmem:s25], [sflag:s3] =	stream.indirect_vreg.gather [hbm4b:s6+s2], $0x80, v2, vm0, $0xb8;
	[tilespmem:$0x1A000] =	vst v63  }
0xdc: {  	v2 =	vld.msk [tilespmem:s26+$0x0], $0xff;
	_ =	sdelay $0x4  }
0xdd: {  	v3 =	vshll.u32 v2, $0x2  }
0xde: {  	v2 =	vand.u32 $0x7, v2;
	v3 =	vand.u32 $0xFFFFFFE0, v3  }
0xdf: {  	v2 =	vor.u32 v2, v3  }
0xe0: {  	v2 =	vperm.xlane v2, v0;
	_ =	sdelay $0x1  }
0xe1: {  	v2 =	vadd.s32 v1, v2;
	_ =	sdelay $0x3  }
0xe2: {  	s28 =	sadd.s32 $0x6000, s1  }
0xe3: {  	[tilespmem:s28], [sflag:s3] =	stream.indirect_vreg.gather [hbm4b:s5+s2], $0x80, v2, vm0, $0xb8;
	[tilespmem:$0x1A000] =	vst v63  }
0xe4: {  	s0 =	sor.u32 $0x300, s0;
	s29 =	sadd.s32 $0x6800, s1  }
0xe5: {  	[tilespmem:s29], [sflag:s3] =	stream.indirect_vreg.gather [hbm4b:s6+s2], $0x80, v2, vm0, $0xb8;
	[tilespmem:$0x1A000] =	vst v63  }
0xe6: {  	v2 =	vld.msk [tilespmem:s0+$0x0], $0xff;
	_ =	sdelay $0x4  }
0xe7: {  	v3 =	vshll.u32 v2, $0x2  }
0xe8: {  	v2 =	vand.u32 $0x7, v2;
	v3 =	vand.u32 $0xFFFFFFE0, v3  }
0xe9: {  	v2 =	vor.u32 v2, v3  }
0xea: {  	v2 =	vperm.xlane v2, v0;
	_ =	sdelay $0x1  }
0xeb: {  	v2 =	vadd.s32 v1, v2;
	_ =	sdelay $0x3  }
0xec: {  	s30 =	sadd.s32 $0x7000, s1  }
0xed: {  	[tilespmem:s30], [sflag:s3] =	stream.indirect_vreg.gather [hbm4b:s5+s2], $0x80, v2, vm0, $0xb8;
	[tilespmem:$0x1A000] =	vst v63  }
0xee: {  	s31 =	sadd.s32 $0x7800, s1  }
0xef: {  	[tilespmem:s31], [sflag:s3] =	stream.indirect_vreg.gather [hbm4b:s6+s2], $0x80, v2, vm0, $0xb8;
	[tilespmem:$0x1A000] =	vst v63  }
.LBB2_4:
0xf0: {  	s0 =	smul.u32 $0xAB, s8;
	_ =	sdelay $0x1  }
0xf1: {  	s0 =	sshrl.u32 s0, $0x9  }
0xf2: {  	s0 =	sand.u32 $0x7F, s0  }
0xf3: {  	s0 =	smul.u32 $0x3, s0;
	_ =	sdelay $0x1  }
0xf4: {  	s0 =	ssub.s32 s8, s0  }
0xf5: {  	s0 =	sand.u32 $0xFF, s0  }
0xf6: {  	[smem:$0x7FD] =	sst s8;
	s1 =	sadd.s32 $0x1, s0  }
0xf7: {  	_ =	swait.ge [sflag:s1], $0x1000  }
0xf8: {  	[sflag:s1] =	ssyncset.done $0x0  }
0xf9: {  	[sflag:s1] =	ssyncadd.s32 $0xFFFFF000  }
0xfa: {  	_ =	swait.ge [sflag:s1], $0x1000  }
0xfb: {  	[sflag:s1] =	ssyncset.done $0x0  }
0xfc: {  	[sflag:s1] =	ssyncadd.s32 $0xFFFFF000  }
0xfd: {  	_ =	swait.ge [sflag:s1], $0x1000  }
0xfe: {  	[sflag:s1] =	ssyncset.done $0x0  }
0xff: {  	[sflag:s1] =	ssyncadd.s32 $0xFFFFF000  }
0x100: {  	_ =	swait.ge [sflag:s1], $0x1000  }
0x101: {  	[sflag:s1] =	ssyncset.done $0x0  }
0x102: {  	[sflag:s1] =	ssyncadd.s32 $0xFFFFF000  }
0x103: {  	_ =	swait.ge [sflag:s1], $0x1000  }
0x104: {  	[sflag:s1] =	ssyncset.done $0x0  }
0x105: {  	[sflag:s1] =	ssyncadd.s32 $0xFFFFF000  }
0x106: {  	_ =	swait.ge [sflag:s1], $0x1000  }
0x107: {  	s0 =	smul.u32 $0x1C000, s0;
	[sflag:s1] =	ssyncset.done $0x0  }
0x108: {  	[sflag:s1] =	ssyncadd.s32 $0xFFFFF000  }
0x109: {  	s0 =	sshrl.u32 s0, $0x2;
	_ =	swait.ge [sflag:s1], $0x1000  }
0x10a: {  	p0 =	seq.s32 s7, $0x0;
	s3 =	sadd.s32 $0x1000, s0;
	[sflag:s1] =	ssyncset.done $0x0  }
0x10b: {  	[dreg:$0x1f] =	wrdreg s7;
	[sflag:s1] =	ssyncadd.s32 $0xFFFFF000;
	s1 =	simm.s32 @!p0 $0x4  }
0x10c: {  	s8 =	sadd.s32 $0x2000, s0;
	_ =	swait.ge @!p0 [sflag:s1], $0x2000;
	[dreg:$0x3] =	wrdreg s3  }
0x10d: {  	s9 =	sadd.s32 $0x3000, s0;
	[dreg:$0x4] =	wrdreg s8  }
0x10e: {  	s10 =	sadd.s32 $0x4000, s0;
	s11 =	sadd.s32 $0x5000, s0;
	[dreg:$0x5] =	wrdreg s9  }
0x10f: {  	s4 =	sadd.s32 $0x6000, s0;
	[dreg:$0x6] =	wrdreg s10;
	[sflag:s1] =	ssyncset.done @!p0 $0x0  }
0x110: {  	[dreg:$0x7] =	wrdreg s11;
	[sflag:s1] =	ssyncadd.s32 @!p0 $0xFFFFE000;
	s1 =	simm.s32 $0x0  }
0x111: {  	s0 =	sadd.s32 $0x7000, s0;
	s12 =	rddreg [dreg:$0x3];
	s6 =	sand.u32 $0xC00, s1  }
0x112: {  	[dreg:$0x8] =	wrdreg s4;
	s20 =	sand.u32 $0x380, s1;
	s13 =	sadd.s32 s6, s12  }
0x113: {  	[dreg:$0x9] =	wrdreg s0;
	s4 =	sand.u32 $0x40, s1;
	s0 =	sadd.s32 s20, s13  }
0x114: {  	s14 =	rddreg [dreg:$0x9];
	s7 =	sor.u32 $0x10, s4;
	s5 =	sadd.s32 s4, s0  }
0x115: {  	s9 =	rddreg [dreg:$0x8];
	s8 =	sor.u32 $0x20, s4;
	s12 =	sadd.s32 s7, s0;
	v2 =	vld [tilespmem:s5+$0x0]  }
0x116: {  	s10 =	sor.u32 $0x30, s4;
	s3 =	sadd.s32 s6, s14;
	s15 =	sadd.s32 s8, s0;
	v5 =	vld [tilespmem:s12+$0x0]  }
0x117: {  	s9 =	sadd.s32 s6, s9;
	s3 =	sadd.s32 s20, s3;
	s0 =	sadd.s32 s10, s0;
	v8 =	vld [tilespmem:s15+$0x0]  }
0x118: {  	s9 =	sadd.s32 s20, s9;
	s17 =	sadd.s32 s4, s3;
	v10 =	vld [tilespmem:s0+$0x0]  }
0x119: {  	s18 =	sadd.s32 s7, s9;
	v4 =	vld [tilespmem:s17+$0x0]  }
0x11a: {  	s25 =	sadd.s32 s10, s9;
	v6 =	vld [tilespmem:s18+$0x0]  }
0x11b: {  	s11 =	rddreg [dreg:$0x6];
	s13 =	sadd.s32 s8, s9;
	v12 =	vld [tilespmem:s25+$0x0]  }
0x11c: {  	s16 =	sadd.s32 s6, s11;
	s9 =	sadd.s32 s4, s9;
	v15 =	vld [tilespmem:s13+$0x0]  }
0x11d: {  	s0 =	sadd.s32 s20, s16;
	s13 =	sadd.s32 s7, s3;
	v3 =	vld [tilespmem:s9+$0x0]  }
0x11e: {  	s19 =	rddreg [dreg:$0x5];
	s21 =	sadd.s32 s8, s0;
	v21 =	vld [tilespmem:s13+$0x0]  }
0x11f: {  	s24 =	sadd.s32 s6, s19;
	s22 =	sadd.s32 s10, s0;
	v24 =	vld [tilespmem:s21+$0x0]  }
0x120: {  	s5 =	sadd.s32 s20, s24;
	s23 =	sadd.s32 s7, s0;
	v9 =	vld [tilespmem:s22+$0x0]  }
0x121: {  	s26 =	rddreg [dreg:$0x4];
	s2 =	sadd.s32 s8, s5;
	v20 =	vld [tilespmem:s23+$0x0]  }
0x122: {  	s12 =	sadd.s32 s6, s26;
	s15 =	sadd.s32 s4, s5;
	v25 =	vld [tilespmem:s2+$0x0]  }
0x123: {  	s14 =	rddreg [dreg:$0x7];
	s11 =	sadd.s32 s20, s12;
	s17 =	sadd.s32 s10, s5;
	v30 =	vld [tilespmem:s15+$0x0];
	v14 =	vshll.u32 v2, $0x10  }
0x124: {  	s9 =	sadd.s32 s6, s14;
	s16 =	sadd.s32 s8, s11;
	v27 =	vld [tilespmem:s17+$0x0];
	v19 =	vand.u32 $0xFFFF0000, v2;
	v11 =	vshll.u32 v5, $0x10;
	v7 =	vand.u32 $0xFFFF0000, v5  }
0x125: {  	s19 =	sadd.s32 s20, s9;
	s18 =	sadd.s32 s10, s11;
	v22 =	vld [tilespmem:s16+$0x0];
	v23 =	vshll.u32 v8, $0x10;
	v26 =	vand.u32 $0xFFFF0000, v8;
	v2 =	vshll.u32 v4, $0x10  }
0x126: {  	s9 =	sadd.s32 s7, s19;
	v35 =	vld [tilespmem:s18+$0x0];
	v8 =	vshll.u32 v12, $0x10;
	v32 =	vshll.u32 v10, $0x10;
	v39 =	vand.u32 $0xFFFF0000, v10  }
0x127: {  	s22 =	sadd.s32 s4, s11;
	v34 =	vld [tilespmem:s9+$0x0];
	v18 =	vand.u32 $0xFFFF0000, v12;
	v10 =	vand.u32 $0xFFFF0000, v15;
	v5 =	vand.u32 $0xFFFF0000, v21  }
0x128: {  	v44 =	vld [tilespmem:s22+$0x0];
	v12 =	vshll.u32 v21, $0x10;
	v21 =	vand.u32 $0xFFFF0000, v3;
	v13 =	vshll.u32 v9, $0x10  }
0x129: {  	s28 =	simm.s32 $0x0;
	s29 =	simm.s32 $0x10;
	s5 =	sadd.s32 s7, s5;
	v17 =	vand.u32 $0xFFFF0000, v9;
	v16 =	vand.u32 $0xFFFF0000, v24;
	v9 =	vshll.u32 v6, $0x10  }
0x12a: {  	s30 =	simm.s32 $0x40;
	s31 =	simm.s32 $0x200;
	s1 =	sand.u32 $0x1C0, s1;
	v29 =	vld [tilespmem:s5+$0x0];
	v37 =	vshll.u32 v25, $0x10;
	v25 =	vand.u32 $0xFFFF0000, v25;
	v36 =	vshll.u32 v30, $0x10  }
0x12b: {  	s26 =	sadd.s32 s8, s3;
	s6 =	sor.u32 $0x16000, s6;
	s23 =	sadd.s32 s8, s19;
	v40 =	vshll.u32 v24, $0x10;
	v38 =	vshll.u32 v27, $0x10;
	v41 =	vshll.u32 v22, $0x10  }
0x12c: {  	s3 =	sadd.s32 s10, s3;
	s25 =	sor.u32 s4, s6;
	s21 =	sadd.s32 s4, s0;
	v31 =	vld [tilespmem:s23+$0x0];
	v28 =	vand.u32 $0xFFFF0000, v22;
	v22 =	vand.u32 $0xFFFF0000, v20;
	v45 =	vand.u32 $0xFFFF0000, v35  }
0x12d: {  	s6 =	sor.u32 s20, s6;
	s0 =	sadd.s32 s10, s19;
	s24 =	sadd.s32 s4, s19;
	v43 =	vld [tilespmem:s21+$0x0];
	v24 =	vand.u32 $0xFFFF0000, v34;
	v42 =	vshll.u32 v44, $0x10;
	v28 =	vadd.f32 v28, v26  }
0x12e: {  	s25 =	sor.u32 s20, s25;
	s15 =	sor.u32 s7, s6;
	s4 =	sor.u32 s4, s6;
	v44 =	vand.u32 $0xFFFF0000, v44;
	v26 =	vshll.u32 v20, $0x10;
	v20 =	vld [tilespmem:s3+$0x0];
	v39 =	vadd.f32 v45, v39  }
0x12f: {  	s9 =	sadd.s32 s7, s11;
	s7 =	sor.u32 s8, s6;
	s6 =	sor.u32 s10, s6;
	v33 =	vadd.f32 v25, v28;
	v28 =	vand.u32 $0xFFFF0000, v29;
	v25 =	vshll.u32 v34, $0x10;
	v34 =	vld [tilespmem:s24+$0x0]  }
.LBB2_5:
0x130: {  	[dreg:$0x17] =	wrdreg s15  }
0x131: {  	[dreg:$0x16] =	wrdreg s7  }
0x132: {  	[dreg:$0x12] =	wrdreg s4  }
0x133: {  	[dreg:$0x11] =	wrdreg s6;
	v30 =	vand.u32 $0xFFFF0000, v30;
	v23 =	vadd.f32 v41, v23  }
0x134: {  	s3 =	rddreg [dreg:$0x3];
	v19 =	vadd.f32 v44, v19;
	v35 =	vshll.u32 v35, $0x10;
	v56 =	vshll.u32 v29, $0x10  }
0x135: {  	s5 =	rddreg [dreg:$0x9];
	v14 =	vadd.f32 v42, v14;
	v27 =	vand.u32 $0xFFFF0000, v27;
	v32 =	vadd.f32 v35, v32  }
0x136: {  	s22 =	sor.u32 $0x220, s1;
	s15 =	sand.u32 $0xC00, s31;
	s2 =	rddreg [dreg:$0x7];
	v15 =	vshll.u32 v15, $0x10;
	v27 =	vadd.f32 v27, v39;
	v16 =	vadd.f32 v16, v33  }
0x137: {  	s10 =	sand.u32 $0x380, s29;
	s13 =	rddreg [dreg:$0x6];
	v57 =	vld [tilespmem:s9+$0x0];
	v62 =	vand.u32 $0xFFFF0000, v4;
	s24 =	sadd.s32 s15, s3;
	v23 =	vadd.f32 v37, v23;
	v19 =	vadd.f32 v30, v19  }
0x138: {  	s11 =	sand.u32 $0x40, s30;
	s17 =	rddreg [dreg:$0x8];
	v63 =	vand.u32 $0xFFFF0000, v6;
	s12 =	sadd.s32 s10, s24;
	v14 =	vadd.f32 v36, v14;
	v32 =	vadd.f32 v38, v32  }
0x139: {  	s18 =	rddreg [dreg:$0x5];
	v48 =	vld [tilespmem:s26+$0x0];
	s7 =	sor.u32 $0x10, s11;
	s4 =	sadd.s32 s11, s12;
	v17 =	vadd.f32 v17, v27;
	v54 =	vshll.u32 v31, $0x10;
	v55 =	vand.u32 $0xFFFF0000, v20  }
0x13a: {  	s23 =	sshll.u32 s22, $0x3;
	s8 =	sor.u32 $0x20, s11;
	s14 =	sadd.s32 s7, s12;
	v45 =	vshll.u32 v43, $0x10;
	v30 =	vand.u32 $0xFFFF0000, v43;
	v29 =	vshll.u32 v34, $0x10;
	v58 =	vld [tilespmem:s4+$0x0]  }
0x13b: {  	s5 =	sadd.s32 s15, s5;
	s13 =	sadd.s32 s15, s13;
	s19 =	sadd.s32 s8, s12;
	v23 =	vadd.f32 v40, v23;
	v31 =	vand.u32 $0xFFFF0000, v31;
	v59 =	vld [tilespmem:s14+$0x0];
	v60 =	vand.u32 $0xFFFF0000, v34  }
0x13c: {  	s17 =	sadd.s32 s15, s17;
	s3 =	sadd.s32 s15, s2;
	s13 =	sadd.s32 s10, s13;
	v49 =	vld [tilespmem:s19+$0x0];
	v19 =	vadd.f32 v30, v19;
	v45 =	vadd.f32 v45, v14;
	v4 =	vshll.u32 v57, $0x10  }
0x13d: {  	s6 =	sor.u32 s22, s23;
	s2 =	sadd.s32 s8, s13;
	s4 =	sor.u32 $0x30, s11;
	v20 =	vshll.u32 v20, $0x10;
	v30 =	vld [tilespmem:s0+$0x0];
	v23 =	vadd.f32 v54, v23;
	v6 =	vadd.f32 v4, v11  }
0x13e: {  	s5 =	sadd.s32 s10, s5;
	s9 =	sand.u32 $0x1C60, s6;
	v52 =	vld [tilespmem:s2+$0x0];
	s21 =	sadd.s32 s4, s12;
	v37 =	vand.u32 $0xFFFF0000, v57;
	v13 =	vadd.f32 v13, v32;
	v61 =	vadd.f32 v60, v19  }
0x13f: {  	s6 =	sadd.s32 s10, s17;
	s22 =	sadd.s32 s11, s5;
	s0 =	sadd.s32 s15, s18;
	v50 =	vld [tilespmem:s21+$0x0];
	v35 =	vadd.f32 v56, v6;
	v51 =	vadd.f32 v15, v23;
	v56 =	vshll.u32 v48, $0x10  }
0x140: {  	s12 =	sadd.s32 s11, s13;
	s23 =	sadd.s32 s4, s13;
	s13 =	sadd.s32 s7, s13;
	v4 =	vld [tilespmem:s22+$0x0];
	v14 =	vshll.u32 v58, $0x10;
	v19 =	vand.u32 $0xFFFF0000, v58;
	v11 =	vshll.u32 v59, $0x10  }
0x141: {  	s17 =	sadd.s32 s7, s6;
	s18 =	sadd.s32 s10, s0;
	v54 =	vld [tilespmem:s13+$0x0];
	v23 =	vshll.u32 v49, $0x10;
	v53 =	vand.u32 $0xFFFF0000, v49;
	v21 =	vadd.f32 v21, v61  }
0x142: {  	s16 =	rddreg [dreg:$0x4];
	s22 =	sadd.s32 s8, s18;
	v6 =	vld [tilespmem:s17+$0x0];
	v27 =	vshll.u32 v30, $0x10;
	v15 =	vand.u32 $0xFFFF0000, v30;
	v26 =	vadd.f32 v26, v35  }
0x143: {  	s16 =	sadd.s32 s15, s16;
	s21 =	sadd.s32 s11, s6;
	v58 =	vld [tilespmem:s22+$0x0];
	v30 =	vand.u32 $0xFFFF0000, v59;
	v15 =	vadd.f32 v15, v17;
	v17 =	vadd.f32 v37, v7  }
0x144: {  	s28 =	sadd.s32 $0x4, s28;
	s24 =	sadd.s32 s10, s16;
	s26 =	sadd.s32 s8, s5;
	v59 =	vshll.u32 v3, $0x10;
	v3 =	vld [tilespmem:s21+$0x0];
	v38 =	vadd.f32 v56, v51;
	v13 =	vadd.f32 v27, v13  }
0x145: {  	s19 =	sadd.s32 s10, s3;
	s3 =	sadd.s32 s11, s24;
	s22 =	sadd.s32 s4, s18;
	v40 =	vshll.u32 v52, $0x10;
	v7 =	vmovc v30;
	v30 =	vld [tilespmem:s23+$0x0];
	v21 =	vadd.f32 v62, v21;
	v17 =	vadd.f32 v28, v17  }
0x146: {  	s14 =	sadd.s32 s8, s19;
	s16 =	sadd.s32 s11, s19;
	s23 =	sadd.s32 s4, s6;
	v27 =	vld [tilespmem:s22+$0x0];
	v32 =	vshll.u32 v50, $0x10;
	v60 =	vand.u32 $0xFFFF0000, v50;
	v15 =	vadd.f32 v18, v15  }
0x147: {  	s0 =	sadd.s32 s4, s19;
	s17 =	sadd.s32 s7, s19;
	s19 =	sadd.s32 s8, s24;
	v28 =	vand.u32 $0xFFFF0000, v48;
	v18 =	vld [tilespmem:s23+$0x0];
	v57 =	vadd.f32 v8, v13;
	v22 =	vadd.f32 v22, v17  }
0x148: {  	s2 =	sadd.s32 s4, s24;
	s13 =	sor.u32 s20, s9;
	s6 =	sadd.s32 s8, s6;
	v8 =	vadd.f32 v25, v26;
	v25 =	vadd.f32 v31, v16;
	v16 =	vand.u32 $0xFFFF0000, v52;
	v31 =	vld [tilespmem:s19+$0x0]  }
0x149: {  	s9 =	sadd.s32 s7, s24;
	s24 =	sadd.s32 s11, s18;
	s23 =	sor.u32 $0x230, s1;
	v26 =	vshll.u32 v4, $0x10;
	v55 =	vadd.f32 v55, v15;
	v15 =	vld [tilespmem:s6+$0x0];
	v22 =	vadd.f32 v24, v22  }
0x14a: {  	s1 =	sor.u32 $0x210, s1;
	s6 =	sadd.s32 s4, s5;
	s5 =	sadd.s32 s7, s5;
	v8 =	vadd.f32 v9, v8;
	v13 =	vshll.u32 v30, $0x10;
	v17 =	vand.u32 $0xFFFF0000, v30;
	v30 =	vld [tilespmem:s24+$0x0]  }
0x14b: {  	s29 =	sadd.s32 $0x10, s29;
	s22 =	rddreg [dreg:$0x16];
	v37 =	vshll.u32 v58, $0x10;
	v25 =	vadd.f32 v10, v25;
	s24 =	sshll.u32 s1, $0x3;
	v24 =	vld [tilespmem:s5+$0x0];
	v22 =	vadd.f32 v63, v22  }
0x14c: {  	s31 =	sadd.s32 $0x200, s31;
	s18 =	sadd.s32 s7, s18;
	v35 =	vld [tilespmem:s2+$0x0];
	v62 =	vand.u32 $0xFFFF0000, v58;
	v10 =	vadd.f32 v29, v45;
	[tilespmem:s22+$0x0] =	vst v38;
	v12 =	vadd.f32 v12, v8;
	s1 =	sor.u32 s1, s24  }
0x14d: {  	v9 =	vshll.u32 v6, $0x10;
	v29 =	vld [tilespmem:s18+$0x0];
	[tilespmem:s25+$0x1000] =	vst v21;
	s25 =	rddreg [dreg:$0x17];
	v38 =	vshll.u32 v27, $0x10;
	s5 =	sshll.u32 s23, $0x3;
	s1 =	sand.u32 $0x1C50, s1;
	v21 =	vadd.f32 v5, v22  }
0x14e: {  	s15 =	sor.u32 $0x16000, s15;
	v46 =	vld [tilespmem:s3+$0x0];
	v25 =	vadd.f32 v28, v25;
	v28 =	vadd.f32 v20, v57;
	s5 =	sor.u32 s23, s5;
	v8 =	vshll.u32 v18, $0x10;
	[tilespmem:s25+$0x0] =	vst v12;
	s1 =	sor.u32 s20, s1  }
0x14f: {  	p2 =	slt.u32 s28, $0xFC;
	s21 =	sor.u32 s11, s15;
	v18 =	vand.u32 $0xFFFF0000, v18;
	v41 =	vshll.u32 v31, $0x10;
	s5 =	sand.u32 $0x1C70, s5;
	v22 =	vadd.f32 v59, v10;
	[tilespmem:s1+$0x16000] =	vst v21  }
0x150: {  	s15 =	sor.u32 s10, s15;
	s21 =	sor.u32 s10, s21;
	v20 =	vand.u32 $0xFFFF0000, v31;
	s5 =	sor.u32 s20, s5;
	v5 =	vand.u32 $0xFFFF0000, v24;
	v12 =	vshll.u32 v24, $0x10;
	v24 =	vld [tilespmem:s17+$0x0]  }
.Ltmp1:
0x151: {  	s11 =	sor.u32 s11, s15;
	s24 =	rddreg [dreg:$0x11];
	v61 =	vadd.f32 v20, v53;
	v63 =	vand.u32 $0xFFFF0000, v35;
	[tilespmem:s5+$0x16000] =	vst v55;
	v22 =	vadd.f32 v2, v22;
	(pc) =	sbr.rel @p2 .LBB2_5-.Ltmp1, $4  }
0x152: {  	s8 =	sor.u32 s8, s15;
	s7 =	sor.u32 s7, s15;
	s23 =	rddreg [dreg:$0x12];
	v39 =	vadd.f32 v63, v60;
	v10 =	vand.u32 $0xFFFF0000, v15;
	v36 =	vshll.u32 v30, $0x10;
	v20 =	vld [tilespmem:s6+$0x0];
	[tilespmem:s24+$0x0] =	vst v28  }
0x153: {  	s19 =	sor.u32 s4, s15;
	s4 =	smov.u32 s11;
	s15 =	smov.u32 s7;
	v31 =	vld [tilespmem:s14+$0x0];
	v33 =	vadd.f32 v62, v61;
	v28 =	vand.u32 $0xFFFF0000, v29;
	v42 =	vshll.u32 v46, $0x10;
	[tilespmem:s23+$0x0] =	vst v22  }
0x154: {  	s7 =	smov.u32 s8;
	s25 =	smov.u32 s21;
	s20 =	smov.u32 s10;
	v44 =	vand.u32 $0xFFFF0000, v46;
	v2 =	vmovc v26;
	v21 =	vand.u32 $0xFFFF0000, v3;
	v26 =	vshll.u32 v54, $0x10;
	v43 =	vld [tilespmem:s12+$0x0]  }
0x155: {  	[tilespmem:s13+$0x16000] =	vst v25;
	s6 =	smov.u32 s19;
	s1 =	sand.u32 $0x1C0, s30;
	s30 =	sadd.s32 $0x40, s30;
	v22 =	vand.u32 $0xFFFF0000, v54;
	v34 =	vld [tilespmem:s16+$0x0];
	v25 =	vshll.u32 v24, $0x10;
	v24 =	vand.u32 $0xFFFF0000, v24  }
0x156: {  	v23 =	vadd.f32 v41, v23  }
0x157: {  	v30 =	vand.u32 $0xFFFF0000, v30;
	v19 =	vadd.f32 v44, v19;
	v35 =	vshll.u32 v35, $0x10  }
0x158: {  	v14 =	vadd.f32 v42, v14;
	v27 =	vand.u32 $0xFFFF0000, v27;
	v16 =	vadd.f32 v16, v33  }
0x159: {  	v62 =	vld [tilespmem:s9+$0x0];
	v29 =	vshll.u32 v29, $0x10;
	v32 =	vadd.f32 v35, v32;
	v27 =	vadd.f32 v27, v39  }
0x15a: {  	v49 =	vld [tilespmem:s0+$0x0];
	v61 =	vshll.u32 v31, $0x10;
	v23 =	vadd.f32 v37, v23;
	v19 =	vadd.f32 v30, v19  }
0x15b: {  	v14 =	vadd.f32 v36, v14;
	v63 =	vshll.u32 v43, $0x10;
	v32 =	vadd.f32 v38, v32  }
0x15c: {  	v48 =	vand.u32 $0xFFFF0000, v43;
	v17 =	vadd.f32 v17, v27;
	v23 =	vadd.f32 v40, v23  }
0x15d: {  	v19 =	vadd.f32 v48, v19;
	v50 =	vand.u32 $0xFFFF0000, v34;
	v14 =	vadd.f32 v63, v14  }
0x15e: {  	v51 =	vshll.u32 v62, $0x10;
	v52 =	vand.u32 $0xFFFF0000, v62;
	v13 =	vadd.f32 v13, v32  }
0x15f: {  	v53 =	vand.u32 $0xFFFF0000, v49;
	v23 =	vadd.f32 v61, v23;
	v19 =	vadd.f32 v50, v19  }
0x160: {  	v56 =	vshll.u32 v49, $0x10;
	v11 =	vadd.f32 v51, v11;
	v7 =	vadd.f32 v52, v7  }
0x161: {  	v15 =	vshll.u32 v15, $0x10;
	v55 =	vld [tilespmem:s26+$0x0];
	v17 =	vadd.f32 v53, v17;
	v13 =	vadd.f32 v56, v13  }
0x162: {  	v11 =	vadd.f32 v29, v11;
	v15 =	vadd.f32 v15, v23  }
0x163: {  	v4 =	vand.u32 $0xFFFF0000, v4;
	v7 =	vadd.f32 v28, v7;
	v19 =	vadd.f32 v21, v19  }
0x164: {  	v6 =	vand.u32 $0xFFFF0000, v6;
	v17 =	vadd.f32 v18, v17;
	v11 =	vadd.f32 v26, v11  }
0x165: {  	s23 =	sor.u32 $0x230, s1;
	v54 =	vand.u32 $0xFFFF0000, v20;
	v7 =	vadd.f32 v22, v7;
	v4 =	vadd.f32 v4, v19  }
0x166: {  	s2 =	sshll.u32 s23, $0x3;
	v60 =	vshll.u32 v55, $0x10;
	v59 =	vadd.f32 v54, v17;
	v11 =	vadd.f32 v25, v11  }
0x167: {  	s0 =	sor.u32 s23, s2;
	v57 =	vshll.u32 v34, $0x10;
	v7 =	vadd.f32 v24, v7;
	[tilespmem:s25+$0x1000] =	vst v4;
	v4 =	vadd.f32 v60, v15  }
0x168: {  	s3 =	sor.u32 $0x210, s1;
	v58 =	vand.u32 $0xFFFF0000, v31;
	s0 =	sand.u32 $0x1C70, s0;
	v9 =	vadd.f32 v9, v11;
	v11 =	vadd.f32 v57, v14  }
0x169: {  	v3 =	vshll.u32 v3, $0x10;
	s24 =	sshll.u32 s3, $0x3;
	s0 =	sor.u32 s20, s0;
	v6 =	vadd.f32 v6, v7;
	v7 =	vadd.f32 v58, v16  }
0x16a: {  	s2 =	sor.u32 s3, s24;
	s25 =	sor.u32 $0x220, s1;
	[tilespmem:s0+$0x16000] =	vst v59;
	v9 =	vadd.f32 v12, v9;
	v3 =	vadd.f32 v3, v11  }
0x16b: {  	s2 =	sand.u32 $0x1C50, s2;
	s26 =	sshll.u32 s25, $0x3;
	[tilespmem:s7+$0x0] =	vst v4;
	v5 =	vadd.f32 v5, v6;
	v61 =	vadd.f32 v10, v7  }
0x16c: {  	s2 =	sor.u32 s20, s2;
	v62 =	vand.u32 $0xFFFF0000, v55;
	v8 =	vadd.f32 v8, v13;
	s28 =	sor.u32 s25, s26;
	[tilespmem:s15+$0x0] =	vst v9;
	v2 =	vadd.f32 v2, v3  }
0x16d: {  	s0 =	sand.u32 $0x1C60, s28;
	v3 =	vshll.u32 v20, $0x10;
	v63 =	vadd.f32 v62, v61;
	[tilespmem:s2+$0x16000] =	vst v5  }
0x16e: {  	s0 =	sor.u32 s20, s0;
	v3 =	vadd.f32 v3, v8;
	[tilespmem:s4+$0x0] =	vst v2  }
.Ltmp2:
0x16f: {  	[tilespmem:s0+$0x16000] =	vst v63;
	(pc) =	sbr.rel @p1 .LBB2_8-.Ltmp2, $4  }
0x170: {  	s0 =	rddreg [dreg:$0x1f];
	[tilespmem:s6+$0x0] =	vst v3  }
0x171: {  	s30 =	simm.s32 $0x0;
	s0 =	sshll.u32 s0, $0xB;
	s29 =	rddreg [dreg:$0x1c]  }
0x172: {  	s31 =	simm.s32 $0x16000;
	s7 =	sld [smem:$0x7FD];
	s0 =	sadd.s32 s0, s29  }
0x173: {  	[hbm4b:s0+s30] =	stream.linear.scatter [tilespmem:s31], [sflag:$0x4], $0x2000, $0x38;
	[tilespmem:$0x1A000] =	vst v63  }
0x174: {  	_ = 	snop  }
0x175: {  	s1 =	sadd.s32 $0x3, s7  }
0x176: {  	s0 =	sshll.u32 s1, $0x3;
	s2 =	sshll.u32 s1, $0x6  }
0x177: {  	s0 =	sand.u32 $0x78, s0;
	s2 =	sand.u32 $0x1C00, s2  }
0x178: {  	s0 =	sor.u32 s0, s2  }
0x179: {  	v2 =	vld.msk [tilespmem:s0+$0x0], $0xff;
	_ =	sdelay $0x4  }
0x17a: {  	v3 =	vshll.u32 v2, $0x2  }
0x17b: {  	s11 =	smulhi.u32 $0x55555556, s1;
	v2 =	vand.u32 $0x7, v2;
	v3 =	vand.u32 $0xFFFFFFE0, v3  }
0x17c: {  	v2 =	vor.u32 v2, v3  }
0x17d: {  	s2 =	smul.u32 $0x3, s11;
	v2 =	vperm.xlane v2, v0;
	_ =	sdelay $0x1  }
0x17e: {  	s2 =	ssub.s32 s1, s2;
	v2 =	vadd.s32 v1, v2  }
0x17f: {  	s1 =	smul.u32 $0x1C000, s2;
	_ =	sdelay $0x1  }
0x180: {  	s5 =	simm.s32 $0x0;
	s1 =	sshrl.u32 s1, $0x2  }
0x181: {  	s6 =	rddreg [dreg:$0x19];
	s3 =	sadd.s32 $0x1, s2;
	s4 =	sadd.s32 $0x1000, s1  }
0x182: {  	[tilespmem:s4], [sflag:s3] =	stream.indirect_vreg.gather [hbm4b:s6+s5], $0x80, v2, vm0, $0xb8;
	[tilespmem:$0x1A000] =	vst v63  }
0x183: {  	s13 =	rddreg [dreg:$0x1b];
	s14 =	sor.u32 $0x80, s0;
	s12 =	sadd.s32 $0x1800, s1  }
0x184: {  	[tilespmem:s12], [sflag:s3] =	stream.indirect_vreg.gather [hbm4b:s13+s5], $0x80, v2, vm0, $0xb8;
	[tilespmem:$0x1A000] =	vst v63  }
0x185: {  	v2 =	vld.msk [tilespmem:s14+$0x0], $0xff;
	_ =	sdelay $0x4  }
0x186: {  	v3 =	vshll.u32 v2, $0x2  }
0x187: {  	v2 =	vand.u32 $0x7, v2;
	v3 =	vand.u32 $0xFFFFFFE0, v3  }
0x188: {  	v2 =	vor.u32 v2, v3  }
0x189: {  	v2 =	vperm.xlane v2, v0;
	_ =	sdelay $0x1  }
0x18a: {  	v2 =	vadd.s32 v1, v2;
	_ =	sdelay $0x3  }
0x18b: {  	s15 =	sadd.s32 $0x2000, s1  }
0x18c: {  	[tilespmem:s15], [sflag:s3] =	stream.indirect_vreg.gather [hbm4b:s6+s5], $0x80, v2, vm0, $0xb8;
	[tilespmem:$0x1A000] =	vst v63  }
0x18d: {  	s17 =	sor.u32 $0x100, s0;
	s16 =	sadd.s32 $0x2800, s1  }
0x18e: {  	[tilespmem:s16], [sflag:s3] =	stream.indirect_vreg.gather [hbm4b:s13+s5], $0x80, v2, vm0, $0xb8;
	[tilespmem:$0x1A000] =	vst v63  }
0x18f: {  	v2 =	vld.msk [tilespmem:s17+$0x0], $0xff;
	_ =	sdelay $0x4  }
0x190: {  	v3 =	vshll.u32 v2, $0x2  }
0x191: {  	v2 =	vand.u32 $0x7, v2;
	v3 =	vand.u32 $0xFFFFFFE0, v3  }
0x192: {  	v2 =	vor.u32 v2, v3  }
0x193: {  	v2 =	vperm.xlane v2, v0;
	_ =	sdelay $0x1  }
0x194: {  	v2 =	vadd.s32 v1, v2;
	_ =	sdelay $0x3  }
0x195: {  	s18 =	sadd.s32 $0x3000, s1  }
0x196: {  	[tilespmem:s18], [sflag:s3] =	stream.indirect_vreg.gather [hbm4b:s6+s5], $0x80, v2, vm0, $0xb8;
	[tilespmem:$0x1A000] =	vst v63  }
0x197: {  	s20 =	sor.u32 $0x180, s0;
	s19 =	sadd.s32 $0x3800, s1  }
0x198: {  	[tilespmem:s19], [sflag:s3] =	stream.indirect_vreg.gather [hbm4b:s13+s5], $0x80, v2, vm0, $0xb8;
	[tilespmem:$0x1A000] =	vst v63  }
0x199: {  	v2 =	vld.msk [tilespmem:s20+$0x0], $0xff;
	_ =	sdelay $0x4  }
0x19a: {  	v3 =	vshll.u32 v2, $0x2  }
0x19b: {  	v2 =	vand.u32 $0x7, v2;
	v3 =	vand.u32 $0xFFFFFFE0, v3  }
0x19c: {  	v2 =	vor.u32 v2, v3  }
0x19d: {  	v2 =	vperm.xlane v2, v0;
	_ =	sdelay $0x1  }
0x19e: {  	v2 =	vadd.s32 v1, v2;
	_ =	sdelay $0x3  }
0x19f: {  	s21 =	sadd.s32 $0x4000, s1  }
0x1a0: {  	[tilespmem:s21], [sflag:s3] =	stream.indirect_vreg.gather [hbm4b:s6+s5], $0x80, v2, vm0, $0xb8;
	[tilespmem:$0x1A000] =	vst v63  }
0x1a1: {  	s23 =	sor.u32 $0x200, s0;
	s22 =	sadd.s32 $0x4800, s1  }
0x1a2: {  	[tilespmem:s22], [sflag:s3] =	stream.indirect_vreg.gather [hbm4b:s13+s5], $0x80, v2, vm0, $0xb8;
	[tilespmem:$0x1A000] =	vst v63  }
0x1a3: {  	v2 =	vld.msk [tilespmem:s23+$0x0], $0xff;
	_ =	sdelay $0x4  }
0x1a4: {  	v3 =	vshll.u32 v2, $0x2  }
0x1a5: {  	v2 =	vand.u32 $0x7, v2;
	v3 =	vand.u32 $0xFFFFFFE0, v3  }
0x1a6: {  	v2 =	vor.u32 v2, v3  }
0x1a7: {  	v2 =	vperm.xlane v2, v0;
	_ =	sdelay $0x1  }
0x1a8: {  	v2 =	vadd.s32 v1, v2;
	_ =	sdelay $0x3  }
0x1a9: {  	s24 =	sadd.s32 $0x5000, s1  }
0x1aa: {  	[tilespmem:s24], [sflag:s3] =	stream.indirect_vreg.gather [hbm4b:s6+s5], $0x80, v2, vm0, $0xb8;
	[tilespmem:$0x1A000] =	vst v63  }
0x1ab: {  	s26 =	sor.u32 $0x280, s0;
	s25 =	sadd.s32 $0x5800, s1  }
0x1ac: {  	[tilespmem:s25], [sflag:s3] =	stream.indirect_vreg.gather [hbm4b:s13+s5], $0x80, v2, vm0, $0xb8;
	[tilespmem:$0x1A000] =	vst v63  }
0x1ad: {  	v2 =	vld.msk [tilespmem:s26+$0x0], $0xff;
	_ =	sdelay $0x4  }
0x1ae: {  	v3 =	vshll.u32 v2, $0x2  }
0x1af: {  	v2 =	vand.u32 $0x7, v2;
	v3 =	vand.u32 $0xFFFFFFE0, v3  }
0x1b0: {  	v2 =	vor.u32 v2, v3  }
0x1b1: {  	v2 =	vperm.xlane v2, v0;
	_ =	sdelay $0x1  }
0x1b2: {  	v2 =	vadd.s32 v1, v2;
	_ =	sdelay $0x3  }
0x1b3: {  	s28 =	sadd.s32 $0x6000, s1  }
0x1b4: {  	[tilespmem:s28], [sflag:s3] =	stream.indirect_vreg.gather [hbm4b:s6+s5], $0x80, v2, vm0, $0xb8;
	[tilespmem:$0x1A000] =	vst v63  }
0x1b5: {  	s0 =	sor.u32 $0x300, s0;
	s29 =	sadd.s32 $0x6800, s1  }
0x1b6: {  	[tilespmem:s29], [sflag:s3] =	stream.indirect_vreg.gather [hbm4b:s13+s5], $0x80, v2, vm0, $0xb8;
	[tilespmem:$0x1A000] =	vst v63  }
0x1b7: {  	v2 =	vld.msk [tilespmem:s0+$0x0], $0xff;
	_ =	sdelay $0x4  }
0x1b8: {  	v3 =	vshll.u32 v2, $0x2  }
0x1b9: {  	v2 =	vand.u32 $0x7, v2;
	v3 =	vand.u32 $0xFFFFFFE0, v3  }
0x1ba: {  	v2 =	vor.u32 v2, v3  }
0x1bb: {  	v2 =	vperm.xlane v2, v0;
	_ =	sdelay $0x1  }
0x1bc: {  	v2 =	vadd.s32 v1, v2;
	_ =	sdelay $0x3  }
0x1bd: {  	s30 =	sadd.s32 $0x7000, s1  }
0x1be: {  	[tilespmem:s30], [sflag:s3] =	stream.indirect_vreg.gather [hbm4b:s6+s5], $0x80, v2, vm0, $0xb8;
	[tilespmem:$0x1A000] =	vst v63  }
0x1bf: {  	s31 =	sadd.s32 $0x7800, s1  }
0x1c0: {  	[tilespmem:s31], [sflag:s3] =	stream.indirect_vreg.gather [hbm4b:s13+s5], $0x80, v2, vm0, $0xb8;
	[tilespmem:$0x1A000] =	vst v63  }
.LBB2_8:
0x1c1: {  	_ = 	snop  }
0x1c2: {  	s1 =	sor.u32 $0x1, s7  }
0x1c3: {  	s0 =	smulhi.u32 $0x55555556, s1;
	_ =	sdelay $0x1  }
0x1c4: {  	s0 =	smul.u32 $0x3, s0;
	_ =	sdelay $0x1  }
0x1c5: {  	s0 =	ssub.s32 s1, s0  }
0x1c6: {  	[smem:$0x7FC] =	sst s1;
	s1 =	sadd.s32 $0x1, s0  }
0x1c7: {  	_ =	swait.ge [sflag:s1], $0x1000  }
0x1c8: {  	[sflag:s1] =	ssyncset.done $0x0  }
0x1c9: {  	[sflag:s1] =	ssyncadd.s32 $0xFFFFF000  }
0x1ca: {  	_ =	swait.ge [sflag:s1], $0x1000  }
0x1cb: {  	[sflag:s1] =	ssyncset.done $0x0  }
0x1cc: {  	[sflag:s1] =	ssyncadd.s32 $0xFFFFF000  }
0x1cd: {  	_ =	swait.ge [sflag:s1], $0x1000  }
0x1ce: {  	[sflag:s1] =	ssyncset.done $0x0  }
0x1cf: {  	[sflag:s1] =	ssyncadd.s32 $0xFFFFF000  }
0x1d0: {  	_ =	swait.ge [sflag:s1], $0x1000  }
0x1d1: {  	[sflag:s1] =	ssyncset.done $0x0  }
0x1d2: {  	[sflag:s1] =	ssyncadd.s32 $0xFFFFF000  }
0x1d3: {  	_ =	swait.ge [sflag:s1], $0x1000  }
0x1d4: {  	[sflag:s1] =	ssyncset.done $0x0  }
0x1d5: {  	[sflag:s1] =	ssyncadd.s32 $0xFFFFF000  }
0x1d6: {  	_ =	swait.ge [sflag:s1], $0x1000  }
0x1d7: {  	[sflag:s1] =	ssyncset.done $0x0  }
0x1d8: {  	s0 =	smul.u32 $0x1C000, s0;
	[sflag:s1] =	ssyncadd.s32 $0xFFFFF000  }
0x1d9: {  	_ =	swait.ge [sflag:s1], $0x1000  }
0x1da: {  	s0 =	sshra.s32 s0, $0x2;
	[sflag:s1] =	ssyncset.done $0x0  }
0x1db: {  	s2 =	sadd.s32 $0x1000, s0;
	[sflag:s1] =	ssyncadd.s32 $0xFFFFF000;
	s1 =	simm.s32 @!p0 $0x5  }
0x1dc: {  	s6 =	sadd.s32 $0x2000, s0;
	_ =	swait.ge @!p0 [sflag:s1], $0x2000;
	[dreg:$0xa] =	wrdreg s2  }
0x1dd: {  	s7 =	sadd.s32 $0x3000, s0;
	[dreg:$0xb] =	wrdreg s6  }
0x1de: {  	s8 =	sadd.s32 $0x4000, s0;
	s9 =	sadd.s32 $0x5000, s0;
	[dreg:$0xc] =	wrdreg s7  }
0x1df: {  	s3 =	sadd.s32 $0x6000, s0;
	[dreg:$0xd] =	wrdreg s8;
	[sflag:s1] =	ssyncset.done @!p0 $0x0  }
0x1e0: {  	[dreg:$0xe] =	wrdreg s9;
	[sflag:s1] =	ssyncadd.s32 @!p0 $0xFFFFE000;
	s1 =	simm.s32 $0x0  }
0x1e1: {  	s0 =	sadd.s32 $0x7000, s0;
	s10 =	rddreg [dreg:$0xa];
	s6 =	sand.u32 $0xC00, s1  }
0x1e2: {  	[dreg:$0xf] =	wrdreg s3;
	s20 =	sand.u32 $0x380, s1;
	s11 =	sadd.s32 s6, s10  }
0x1e3: {  	[dreg:$0x10] =	wrdreg s0;
	s4 =	sand.u32 $0x40, s1;
	s0 =	sadd.s32 s20, s11  }
0x1e4: {  	s12 =	rddreg [dreg:$0x10];
	s7 =	sor.u32 $0x10, s4;
	s13 =	sadd.s32 s4, s0  }
0x1e5: {  	s5 =	rddreg [dreg:$0xf];
	s8 =	sor.u32 $0x20, s4;
	s11 =	sadd.s32 s7, s0;
	v2 =	vld [tilespmem:s13+$0x0]  }
0x1e6: {  	s10 =	sor.u32 $0x30, s4;
	s2 =	sadd.s32 s6, s12;
	s14 =	sadd.s32 s8, s0;
	v5 =	vld [tilespmem:s11+$0x0]  }
0x1e7: {  	s5 =	sadd.s32 s6, s5;
	s3 =	sadd.s32 s20, s2;
	s0 =	sadd.s32 s10, s0;
	v8 =	vld [tilespmem:s14+$0x0]  }
0x1e8: {  	s5 =	sadd.s32 s20, s5;
	s16 =	sadd.s32 s4, s3;
	v10 =	vld [tilespmem:s0+$0x0]  }
0x1e9: {  	s18 =	rddreg [dreg:$0xc];
	s17 =	sadd.s32 s7, s5;
	v4 =	vld [tilespmem:s16+$0x0]  }
0x1ea: {  	s23 =	sadd.s32 s6, s18;
	s24 =	sadd.s32 s10, s5;
	v6 =	vld [tilespmem:s17+$0x0]  }
0x1eb: {  	s2 =	sadd.s32 s20, s23;
	s12 =	sadd.s32 s8, s5;
	v12 =	vld [tilespmem:s24+$0x0]  }
0x1ec: {  	s26 =	sadd.s32 s8, s2;
	v15 =	vld [tilespmem:s12+$0x0]  }
0x1ed: {  	s5 =	sadd.s32 s4, s5;
	v25 =	vld [tilespmem:s26+$0x0]  }
0x1ee: {  	s9 =	rddreg [dreg:$0xd];
	s18 =	sadd.s32 s10, s2;
	v3 =	vld [tilespmem:s5+$0x0]  }
0x1ef: {  	s15 =	sadd.s32 s6, s9;
	s14 =	sadd.s32 s7, s3;
	v27 =	vld [tilespmem:s18+$0x0]  }
0x1f0: {  	s0 =	sadd.s32 s20, s15;
	s16 =	sadd.s32 s4, s2;
	v21 =	vld [tilespmem:s14+$0x0]  }
0x1f1: {  	s25 =	rddreg [dreg:$0xb];
	s19 =	sadd.s32 s8, s0;
	v30 =	vld [tilespmem:s16+$0x0]  }
0x1f2: {  	s13 =	sadd.s32 s6, s25;
	s21 =	sadd.s32 s10, s0;
	v24 =	vld [tilespmem:s19+$0x0];
	v14 =	vshll.u32 v2, $0x10  }
0x1f3: {  	s22 =	sadd.s32 s7, s0;
	s9 =	sadd.s32 s20, s13;
	v9 =	vld [tilespmem:s21+$0x0];
	v19 =	vand.u32 $0xFFFF0000, v2;
	v11 =	vshll.u32 v5, $0x10;
	v7 =	vand.u32 $0xFFFF0000, v5  }
0x1f4: {  	s15 =	rddreg [dreg:$0xe];
	v20 =	vld [tilespmem:s22+$0x0];
	s17 =	sadd.s32 s8, s9;
	v23 =	vshll.u32 v8, $0x10;
	v26 =	vand.u32 $0xFFFF0000, v8;
	v2 =	vshll.u32 v4, $0x10  }
0x1f5: {  	s5 =	sadd.s32 s6, s15;
	s19 =	sadd.s32 s10, s9;
	v22 =	vld [tilespmem:s17+$0x0];
	v8 =	vshll.u32 v12, $0x10;
	v32 =	vshll.u32 v10, $0x10;
	v39 =	vand.u32 $0xFFFF0000, v10  }
0x1f6: {  	s5 =	sadd.s32 s20, s5;
	s23 =	sadd.s32 s4, s9;
	v35 =	vld [tilespmem:s19+$0x0];
	v18 =	vand.u32 $0xFFFF0000, v12;
	v10 =	vand.u32 $0xFFFF0000, v15;
	v37 =	vshll.u32 v25, $0x10  }
0x1f7: {  	s21 =	sadd.s32 s7, s5;
	v44 =	vld [tilespmem:s23+$0x0];
	v25 =	vand.u32 $0xFFFF0000, v25;
	v38 =	vshll.u32 v27, $0x10;
	v5 =	vand.u32 $0xFFFF0000, v21  }
0x1f8: {  	s28 =	simm.s32 $0x0;
	s29 =	simm.s32 $0x10;
	s2 =	sadd.s32 s7, s2;
	v34 =	vld [tilespmem:s21+$0x0];
	v12 =	vshll.u32 v21, $0x10;
	v21 =	vand.u32 $0xFFFF0000, v3;
	v36 =	vshll.u32 v30, $0x10  }
0x1f9: {  	s30 =	simm.s32 $0x40;
	s31 =	simm.s32 $0x200;
	s1 =	sand.u32 $0x1C0, s1;
	v29 =	vld [tilespmem:s2+$0x0];
	v13 =	vshll.u32 v9, $0x10;
	v17 =	vand.u32 $0xFFFF0000, v9;
	v16 =	vand.u32 $0xFFFF0000, v24  }
0x1fa: {  	s26 =	sadd.s32 s8, s3;
	s3 =	sadd.s32 s10, s3;
	s22 =	sadd.s32 s4, s0;
	v9 =	vshll.u32 v6, $0x10;
	v40 =	vshll.u32 v24, $0x10;
	v41 =	vshll.u32 v22, $0x10  }
0x1fb: {  	s6 =	sor.u32 $0x18000, s6;
	s9 =	sadd.s32 s7, s9;
	s24 =	sadd.s32 s8, s5;
	v43 =	vld [tilespmem:s22+$0x0];
	v28 =	vand.u32 $0xFFFF0000, v22;
	v22 =	vand.u32 $0xFFFF0000, v20;
	v45 =	vand.u32 $0xFFFF0000, v35  }
0x1fc: {  	s25 =	sor.u32 s4, s6;
	s6 =	sor.u32 s20, s6;
	s0 =	sadd.s32 s10, s5;
	v31 =	vld [tilespmem:s24+$0x0];
	v42 =	vshll.u32 v44, $0x10;
	v44 =	vand.u32 $0xFFFF0000, v44;
	v28 =	vadd.f32 v28, v26  }
0x1fd: {  	s5 =	sadd.s32 s4, s5;
	s25 =	sor.u32 s20, s25;
	s15 =	sor.u32 s7, s6;
	v26 =	vshll.u32 v20, $0x10;
	v20 =	vld [tilespmem:s3+$0x0];
	v24 =	vand.u32 $0xFFFF0000, v34;
	v39 =	vadd.f32 v45, v39  }
0x1fe: {  	s7 =	sor.u32 s4, s6;
	s11 =	sor.u32 s8, s6;
	s6 =	sor.u32 s10, s6;
	v33 =	vadd.f32 v25, v28;
	v28 =	vand.u32 $0xFFFF0000, v29;
	v25 =	vshll.u32 v34, $0x10;
	v34 =	vld [tilespmem:s5+$0x0]  }
.LBB2_9:
0x1ff: {  	[dreg:$0x18] =	wrdreg s15  }
0x200: {  	[dreg:$0x15] =	wrdreg s7  }
0x201: {  	[dreg:$0x14] =	wrdreg s11;
	v30 =	vand.u32 $0xFFFF0000, v30;
	v23 =	vadd.f32 v41, v23  }
0x202: {  	[dreg:$0x13] =	wrdreg s6;
	v19 =	vadd.f32 v44, v19;
	v35 =	vshll.u32 v35, $0x10;
	v56 =	vshll.u32 v29, $0x10  }
0x203: {  	s2 =	rddreg [dreg:$0xa];
	s15 =	sand.u32 $0xC00, s31;
	v14 =	vadd.f32 v42, v14;
	v27 =	vand.u32 $0xFFFF0000, v27;
	v32 =	vadd.f32 v35, v32  }
0x204: {  	s3 =	sor.u32 $0x220, s1;
	s10 =	sand.u32 $0x380, s29;
	v15 =	vshll.u32 v15, $0x10;
	s2 =	sadd.s32 s15, s2;
	v27 =	vadd.f32 v27, v39;
	v16 =	vadd.f32 v16, v33  }
0x205: {  	s5 =	rddreg [dreg:$0x10];
	s11 =	sand.u32 $0x40, s30;
	v57 =	vld [tilespmem:s9+$0x0];
	v62 =	vand.u32 $0xFFFF0000, v4;
	v23 =	vadd.f32 v37, v23;
	v19 =	vadd.f32 v30, v19;
	s2 =	sadd.s32 s10, s2  }
0x206: {  	s24 =	rddreg [dreg:$0xe];
	v63 =	vand.u32 $0xFFFF0000, v6;
	v48 =	vld [tilespmem:s26+$0x0];
	s7 =	sor.u32 $0x10, s11;
	v14 =	vadd.f32 v36, v14;
	v32 =	vadd.f32 v38, v32;
	s18 =	sadd.s32 s11, s2  }
0x207: {  	s4 =	sshll.u32 s3, $0x3;
	s8 =	sor.u32 $0x20, s11;
	s13 =	sadd.s32 s7, s2;
	v17 =	vadd.f32 v17, v27;
	v54 =	vshll.u32 v31, $0x10;
	v55 =	vand.u32 $0xFFFF0000, v20;
	v58 =	vld [tilespmem:s18+$0x0]  }
0x208: {  	s23 =	sor.u32 s3, s4;
	s4 =	sor.u32 $0x30, s11;
	s22 =	sadd.s32 s8, s2;
	v45 =	vshll.u32 v43, $0x10;
	v30 =	vand.u32 $0xFFFF0000, v43;
	v29 =	vshll.u32 v34, $0x10;
	v59 =	vld [tilespmem:s13+$0x0]  }
0x209: {  	s12 =	rddreg [dreg:$0xd];
	s2 =	sadd.s32 s4, s2;
	v23 =	vadd.f32 v40, v23;
	v31 =	vand.u32 $0xFFFF0000, v31;
	v60 =	vand.u32 $0xFFFF0000, v34;
	v49 =	vld [tilespmem:s22+$0x0]  }
0x20a: {  	s28 =	sadd.s32 $0x4, s28;
	s19 =	rddreg [dreg:$0xf];
	s12 =	sadd.s32 s15, s12;
	v50 =	vld [tilespmem:s2+$0x0];
	v19 =	vadd.f32 v30, v19;
	v45 =	vadd.f32 v45, v14;
	v4 =	vshll.u32 v57, $0x10  }
0x20b: {  	s5 =	sadd.s32 s15, s5;
	s9 =	sand.u32 $0x1C60, s23;
	s23 =	sadd.s32 s10, s12;
	v20 =	vshll.u32 v20, $0x10;
	v30 =	vld [tilespmem:s0+$0x0];
	v23 =	vadd.f32 v54, v23;
	v6 =	vadd.f32 v4, v11  }
0x20c: {  	s21 =	rddreg [dreg:$0xc];
	s5 =	sadd.s32 s10, s5;
	s18 =	sadd.s32 s8, s23;
	v37 =	vand.u32 $0xFFFF0000, v57;
	v13 =	vadd.f32 v13, v32;
	v61 =	vadd.f32 v60, v19  }
0x20d: {  	s14 =	rddreg [dreg:$0xb];
	s16 =	sadd.s32 s15, s19;
	s17 =	sadd.s32 s11, s5;
	v52 =	vld [tilespmem:s18+$0x0];
	v35 =	vadd.f32 v56, v6;
	v51 =	vadd.f32 v15, v23;
	v56 =	vshll.u32 v48, $0x10  }
0x20e: {  	s6 =	sadd.s32 s10, s16;
	s13 =	sadd.s32 s7, s23;
	s0 =	sadd.s32 s15, s21;
	v4 =	vld [tilespmem:s17+$0x0];
	v14 =	vshll.u32 v58, $0x10;
	v19 =	vand.u32 $0xFFFF0000, v58;
	v11 =	vshll.u32 v59, $0x10  }
0x20f: {  	p0 =	slt.u32 s28, $0xFC;
	s16 =	sadd.s32 s7, s6;
	s21 =	sadd.s32 s10, s0;
	v54 =	vld [tilespmem:s13+$0x0];
	v23 =	vshll.u32 v49, $0x10;
	v53 =	vand.u32 $0xFFFF0000, v49;
	v21 =	vadd.f32 v21, v61  }
0x210: {  	s12 =	sadd.s32 s11, s23;
	s2 =	sadd.s32 s4, s23;
	s23 =	sadd.s32 s8, s21;
	v6 =	vld [tilespmem:s16+$0x0];
	v32 =	vshll.u32 v50, $0x10;
	v27 =	vshll.u32 v30, $0x10;
	v15 =	vand.u32 $0xFFFF0000, v30  }
0x211: {  	s14 =	sadd.s32 s15, s14;
	s3 =	sadd.s32 s15, s24;
	s22 =	sadd.s32 s11, s6;
	v58 =	vld [tilespmem:s23+$0x0];
	v30 =	vand.u32 $0xFFFF0000, v59;
	v15 =	vadd.f32 v15, v17;
	v17 =	vadd.f32 v37, v7  }
0x212: {  	s24 =	sadd.s32 s10, s14;
	s26 =	sadd.s32 s8, s5;
	s19 =	sadd.s32 s10, s3;
	v26 =	vadd.f32 v26, v35;
	v59 =	vshll.u32 v3, $0x10;
	v3 =	vld [tilespmem:s22+$0x0];
	v38 =	vadd.f32 v56, v51  }
0x213: {  	s3 =	sadd.s32 s11, s24;
	s14 =	sadd.s32 s8, s19;
	v60 =	vand.u32 $0xFFFF0000, v50;
	s22 =	sadd.s32 s4, s21;
	v7 =	vmovc v30;
	v30 =	vld [tilespmem:s2+$0x0];
	v13 =	vadd.f32 v27, v13;
	v17 =	vadd.f32 v28, v17  }
0x214: {  	s15 =	sor.u32 $0x18000, s15;
	s18 =	sadd.s32 s4, s24;
	s16 =	sadd.s32 s4, s6;
	v40 =	vshll.u32 v52, $0x10;
	v21 =	vadd.f32 v62, v21;
	v27 =	vld [tilespmem:s22+$0x0];
	v15 =	vadd.f32 v18, v15  }
0x215: {  	s17 =	sadd.s32 s7, s19;
	s0 =	sadd.s32 s4, s19;
	s2 =	sadd.s32 s8, s24;
	v28 =	vand.u32 $0xFFFF0000, v48;
	v18 =	vld [tilespmem:s16+$0x0];
	v57 =	vadd.f32 v8, v13;
	v22 =	vadd.f32 v22, v17  }
0x216: {  	s13 =	sor.u32 s20, s9;
	s9 =	sadd.s32 s7, s24;
	s6 =	sadd.s32 s8, s6;
	v8 =	vadd.f32 v25, v26;
	v25 =	vadd.f32 v31, v16;
	v16 =	vand.u32 $0xFFFF0000, v52;
	v31 =	vld [tilespmem:s2+$0x0]  }
0x217: {  	s23 =	sor.u32 $0x230, s1;
	s1 =	sor.u32 $0x210, s1;
	s24 =	sadd.s32 s11, s21;
	v26 =	vshll.u32 v4, $0x10;
	v55 =	vadd.f32 v55, v15;
	v15 =	vld [tilespmem:s6+$0x0];
	v22 =	vadd.f32 v24, v22  }
0x218: {  	s21 =	sadd.s32 s7, s21;
	s6 =	sadd.s32 s4, s5;
	s5 =	sadd.s32 s7, s5;
	v8 =	vadd.f32 v9, v8;
	v13 =	vshll.u32 v30, $0x10;
	v17 =	vand.u32 $0xFFFF0000, v30;
	v30 =	vld [tilespmem:s24+$0x0]  }
0x219: {  	s22 =	rddreg [dreg:$0x14];
	s16 =	sadd.s32 s11, s19;
	v37 =	vshll.u32 v58, $0x10;
	v25 =	vadd.f32 v10, v25;
	s24 =	sshll.u32 s1, $0x3;
	v24 =	vld [tilespmem:s5+$0x0];
	v22 =	vadd.f32 v63, v22  }
0x21a: {  	v35 =	vld [tilespmem:s18+$0x0];
	s19 =	sor.u32 s11, s15;
	s15 =	sor.u32 s10, s15;
	v62 =	vand.u32 $0xFFFF0000, v58;
	v10 =	vadd.f32 v29, v45;
	[tilespmem:s22+$0x0] =	vst v38;
	v12 =	vadd.f32 v12, v8;
	s1 =	sor.u32 s1, s24  }
0x21b: {  	v9 =	vshll.u32 v6, $0x10;
	v29 =	vld [tilespmem:s21+$0x0];
	s21 =	rddreg [dreg:$0x18];
	[tilespmem:s25+$0x1000] =	vst v21;
	v38 =	vshll.u32 v27, $0x10;
	s5 =	sshll.u32 s23, $0x3;
	s1 =	sand.u32 $0x1C50, s1;
	v21 =	vadd.f32 v5, v22  }
0x21c: {  	s8 =	sor.u32 s8, s15;
	v46 =	vld [tilespmem:s3+$0x0];
	v25 =	vadd.f32 v28, v25;
	v28 =	vadd.f32 v20, v57;
	s5 =	sor.u32 s23, s5;
	v8 =	vshll.u32 v18, $0x10;
	[tilespmem:s21+$0x0] =	vst v12;
	s1 =	sor.u32 s20, s1  }
0x21d: {  	s7 =	sor.u32 s7, s15;
	s4 =	sor.u32 s4, s15;
	v18 =	vand.u32 $0xFFFF0000, v18;
	v41 =	vshll.u32 v31, $0x10;
	s5 =	sand.u32 $0x1C70, s5;
	v22 =	vadd.f32 v59, v10;
	[tilespmem:s1+$0x18000] =	vst v21  }
0x21e: {  	s24 =	sor.u32 s11, s15;
	s15 =	smov.u32 s7;
	v20 =	vand.u32 $0xFFFF0000, v31;
	s23 =	sor.u32 s20, s5;
	v5 =	vand.u32 $0xFFFF0000, v24;
	v12 =	vshll.u32 v24, $0x10;
	v24 =	vld [tilespmem:s17+$0x0]  }
.Ltmp3:
0x21f: {  	s7 =	smov.u32 s24;
	s24 =	rddreg [dreg:$0x13];
	v61 =	vadd.f32 v20, v53;
	v63 =	vand.u32 $0xFFFF0000, v35;
	[tilespmem:s23+$0x18000] =	vst v55;
	v22 =	vadd.f32 v2, v22;
	(pc) =	sbr.rel @p0 .LBB2_9-.Ltmp3, $4  }
0x220: {  	v39 =	vadd.f32 v63, v60;
	v10 =	vand.u32 $0xFFFF0000, v15;
	s23 =	rddreg [dreg:$0x15];
	v36 =	vshll.u32 v30, $0x10;
	v20 =	vld [tilespmem:s6+$0x0];
	[tilespmem:s24+$0x0] =	vst v28  }
0x221: {  	s29 =	sadd.s32 $0x10, s29;
	s31 =	sadd.s32 $0x200, s31;
	s19 =	sor.u32 s10, s19;
	v31 =	vld [tilespmem:s14+$0x0];
	v33 =	vadd.f32 v62, v61;
	v28 =	vand.u32 $0xFFFF0000, v29;
	v42 =	vshll.u32 v46, $0x10;
	[tilespmem:s23+$0x0] =	vst v22  }
0x222: {  	s25 =	smov.u32 s19;
	s11 =	smov.u32 s8;
	s20 =	smov.u32 s10;
	v44 =	vand.u32 $0xFFFF0000, v46;
	v2 =	vmovc v26;
	v21 =	vand.u32 $0xFFFF0000, v3;
	v26 =	vshll.u32 v54, $0x10;
	v43 =	vld [tilespmem:s12+$0x0]  }
0x223: {  	[tilespmem:s13+$0x18000] =	vst v25;
	s6 =	smov.u32 s4;
	s1 =	sand.u32 $0x1C0, s30;
	s30 =	sadd.s32 $0x40, s30;
	v22 =	vand.u32 $0xFFFF0000, v54;
	v34 =	vld [tilespmem:s16+$0x0];
	v25 =	vshll.u32 v24, $0x10;
	v24 =	vand.u32 $0xFFFF0000, v24  }
0x224: {  	v23 =	vadd.f32 v41, v23  }
0x225: {  	v30 =	vand.u32 $0xFFFF0000, v30;
	v19 =	vadd.f32 v44, v19;
	v35 =	vshll.u32 v35, $0x10  }
0x226: {  	v14 =	vadd.f32 v42, v14;
	v27 =	vand.u32 $0xFFFF0000, v27;
	v16 =	vadd.f32 v16, v33  }
0x227: {  	v62 =	vld [tilespmem:s9+$0x0];
	v29 =	vshll.u32 v29, $0x10;
	v32 =	vadd.f32 v35, v32;
	v27 =	vadd.f32 v27, v39  }
0x228: {  	v49 =	vld [tilespmem:s0+$0x0];
	v61 =	vshll.u32 v31, $0x10;
	v23 =	vadd.f32 v37, v23;
	v19 =	vadd.f32 v30, v19  }
0x229: {  	v14 =	vadd.f32 v36, v14;
	v63 =	vshll.u32 v43, $0x10;
	v32 =	vadd.f32 v38, v32  }
0x22a: {  	v48 =	vand.u32 $0xFFFF0000, v43;
	v17 =	vadd.f32 v17, v27;
	v23 =	vadd.f32 v40, v23  }
0x22b: {  	v19 =	vadd.f32 v48, v19;
	v50 =	vand.u32 $0xFFFF0000, v34;
	v14 =	vadd.f32 v63, v14  }
0x22c: {  	v51 =	vshll.u32 v62, $0x10;
	v52 =	vand.u32 $0xFFFF0000, v62;
	v13 =	vadd.f32 v13, v32  }
0x22d: {  	v53 =	vand.u32 $0xFFFF0000, v49;
	v23 =	vadd.f32 v61, v23;
	v19 =	vadd.f32 v50, v19  }
0x22e: {  	v56 =	vshll.u32 v49, $0x10;
	v11 =	vadd.f32 v51, v11;
	v7 =	vadd.f32 v52, v7  }
0x22f: {  	v15 =	vshll.u32 v15, $0x10;
	v55 =	vld [tilespmem:s26+$0x0];
	v17 =	vadd.f32 v53, v17;
	v13 =	vadd.f32 v56, v13  }
0x230: {  	v11 =	vadd.f32 v29, v11;
	v15 =	vadd.f32 v15, v23  }
0x231: {  	v4 =	vand.u32 $0xFFFF0000, v4;
	v7 =	vadd.f32 v28, v7;
	v19 =	vadd.f32 v21, v19  }
0x232: {  	v6 =	vand.u32 $0xFFFF0000, v6;
	v17 =	vadd.f32 v18, v17;
	v11 =	vadd.f32 v26, v11  }
0x233: {  	s23 =	sor.u32 $0x230, s1;
	v54 =	vand.u32 $0xFFFF0000, v20;
	v7 =	vadd.f32 v22, v7;
	v4 =	vadd.f32 v4, v19  }
0x234: {  	s2 =	sshll.u32 s23, $0x3;
	v60 =	vshll.u32 v55, $0x10;
	v59 =	vadd.f32 v54, v17;
	v11 =	vadd.f32 v25, v11  }
0x235: {  	s0 =	sor.u32 s23, s2;
	v57 =	vshll.u32 v34, $0x10;
	v7 =	vadd.f32 v24, v7;
	[tilespmem:s25+$0x1000] =	vst v4;
	v4 =	vadd.f32 v60, v15  }
0x236: {  	s3 =	sor.u32 $0x210, s1;
	v58 =	vand.u32 $0xFFFF0000, v31;
	s0 =	sand.u32 $0x1C70, s0;
	v9 =	vadd.f32 v9, v11;
	v11 =	vadd.f32 v57, v14  }
0x237: {  	v3 =	vshll.u32 v3, $0x10;
	s24 =	sshll.u32 s3, $0x3;
	s0 =	sor.u32 s20, s0;
	v6 =	vadd.f32 v6, v7;
	v7 =	vadd.f32 v58, v16  }
0x238: {  	s2 =	sor.u32 s3, s24;
	s25 =	sor.u32 $0x220, s1;
	[tilespmem:s0+$0x18000] =	vst v59;
	v9 =	vadd.f32 v12, v9;
	v3 =	vadd.f32 v3, v11  }
0x239: {  	s2 =	sand.u32 $0x1C50, s2;
	s26 =	sshll.u32 s25, $0x3;
	[tilespmem:s11+$0x0] =	vst v4;
	v5 =	vadd.f32 v5, v6;
	v61 =	vadd.f32 v10, v7  }
0x23a: {  	s2 =	sor.u32 s20, s2;
	v62 =	vand.u32 $0xFFFF0000, v55;
	v8 =	vadd.f32 v8, v13;
	s28 =	sor.u32 s25, s26;
	[tilespmem:s15+$0x0] =	vst v9;
	v2 =	vadd.f32 v2, v3  }
0x23b: {  	s0 =	sand.u32 $0x1C60, s28;
	v3 =	vshll.u32 v20, $0x10;
	v63 =	vadd.f32 v62, v61;
	[tilespmem:s2+$0x18000] =	vst v5  }
0x23c: {  	s0 =	sor.u32 s20, s0;
	v3 =	vadd.f32 v3, v8;
	[tilespmem:s7+$0x0] =	vst v2  }
0x23d: {  	[tilespmem:s0+$0x18000] =	vst v63  }
0x23e: {  	s0 =	sld [smem:$0x7FC];
	[tilespmem:s6+$0x0] =	vst v3  }
0x23f: {  	s7 =	rddreg [dreg:$0x1f]  }
0x240: {  	s7 =	sadd.s32 $0x1, s7  }
0x241: {  	p0 =	sne.s32 s7, $0x20  }
.Ltmp4:
0x242: {  	_ = 	snop;
	(pc) =	sbr.rel @p0 .LBB2_2-.Ltmp4, $4  }
0x243: {  	_ = 	snop  }
0x244: {  	s29 =	rddreg [dreg:$0x1c];
	s0 =	sshll.u32 s0, $0xA  }
0x245: {  	s30 =	simm.s32 $0x0;
	s31 =	simm.s32 $0x18000;
	s0 =	sadd.s32 s0, s29  }
0x246: {  	[hbm4b:s0+s30] =	stream.linear.scatter [tilespmem:s31], [sflag:$0x5], $0x2000, $0x38;
	[tilespmem:$0x1A000] =	vst v63  }
0x247: {  	s0 =	simm.s32 $0x4  }
0x248: {  	_ =	swait.ge [sflag:s0], $0x2000  }
0x249: {  	[sflag:s0] =	ssyncset.done $0x0  }
0x24a: {  	s1 =	simm.s32 $0x5;
	[sflag:s0] =	ssyncadd.s32 $0xFFFFE000  }
0x24b: {  	_ =	swait.ge [sflag:s1], $0x2000  }
0x24c: {  	s2 =	rddreg [dreg:$0x1e]  }
0x24d: {  	s31 =	rddreg [dreg:$0x1d];
	s2 =	sadd.s32 $0x1, s2  }
0x24e: {  	p0 =	sne.s32 s2, s31  }
.Ltmp5:
0x24f: {  	_ = 	snop;
	(pc) =	sbr.rel @p0 .LBB2_1-.Ltmp5, $3  }
0x250: {  	_ =	sdelay $0x1  }
0x251: {  	[sflag:s1] =	ssyncset.done $0x0  }
0x252: {  	[sflag:s1] =	ssyncadd.s32 $0xFFFFE000  }
0x253: {  	_ =	sfence.sel $0x180000  }
0x254: {  	[bflag:$0x0] =	sbarrier.arrive $0xFFFF  }
0x255: {  	_ =	strace $0x90000047  }
0x256: {  	s0 =	stileid.u32;
	[bflag:$0x2] =	sbarrier.arrive $0xFFFF  }
0x257: {  	p0 =	sne.s32 s0, $0x0;
	s0 =	rddreg [dreg:$0x2]  }
0x258: {  	s0 =	sadd.s32 @!p0 $0x100000, s0  }
0x259: {  	[sflag:s0] =	ssyncadd.tile.s32 @!p0 $0x1;
	_ =	shalt  }
.Lfunc_end2:
_tile_overlayer_lowered:
.L_overlay_start_2:
0x25a: {  	(tag) =	ssettag $0x2  }
0x25b: {  	s0 =	rddreg [dreg:$0x0];
	s2 =	stileid.u32  }
0x25c: {  	s1 =	rddreg [dreg:$0x1];
	p0 =	sne.s32 s2, $0x0  }
0x25d: {  	s3 =	rddreg [dreg:$0x2];
	[bflag:$0x3] =	sbarrier.arrive $0xFFFF;
	s2 =	simm.s32 @!p0 $0x1C06  }
0x25e: {  	[timem:s3], [sflag:s2] =	dma.local @!p0 [hbm:s0], s1  }
0x25f: {  	s0 =	simm.s32 @!p0 $0x6  }
0x260: {  	_ =	swait.ge @!p0 [sflag:s0], s1  }
0x261: {  	s1 =	ssub.s32 @!p0 $0x0, s1;
	[sflag:s0] =	ssyncset.done @!p0 $0x0  }
0x262: {  	[sflag:s0] =	ssyncadd.s32 @!p0 s1  }
0x263: {  	[bflag:$0x3] =	sbarrier.arrive $0xFFFF  }
0x264: {  	_ =	shalt  }

</sc_bundles>
